<compile_context>
chip_gen: v7x
topology: tpu7x:2x2x1
jax: 0.10.2.dev20260603
libtpu: 0.0.44.dev20260713+nightly
codegen_flags: <defaults>
</compile_context>

<pallas_src>
import functools

import jax
import jax.numpy as jnp
from jax import lax
from jax.experimental import pallas as pl
from jax.experimental.pallas import tpu as pltpu
from jax.experimental.pallas import tpu_sc as plsc

VOCAB = 1000000
EMB = 64
PAD_EMB = 128
NUM_CORES = 2
NUM_SUBCORES = 16
NW = NUM_CORES * NUM_SUBCORES
CHUNK = 128


def _make_gather(total):
    per_w = total // NW
    nchunk = per_w // CHUNK

    mesh = plsc.VectorSubcoreMesh(core_axis_name="c", subcore_axis_name="s")

    nbuf = 5
    assert (nchunk - nbuf) % nbuf == 0

    @functools.partial(
        pl.kernel,
        mesh=mesh,
        compiler_params=pltpu.CompilerParams(use_tc_tiling_on_sc=False),
        out_type=jax.ShapeDtypeStruct((total, EMB), jnp.float32),
        scratch_types=[
            pltpu.VMEM((nchunk, CHUNK), jnp.int32),
            pltpu.VMEM((nbuf, CHUNK, PAD_EMB), jnp.float32),
            pltpu.SemaphoreType.DMA((nbuf,)),
        ],
    )
    def gather_kernel(idx_hbm, table_hbm, out_hbm, idx_v, rows_v, gsem):
        wid = lax.axis_index("s") * NUM_CORES + lax.axis_index("c")
        base = wid * per_w
        pltpu.sync_copy(idx_hbm.at[wid], idx_v)

        def gather(j, b):
            return pltpu.make_async_copy(
                table_hbm.at[idx_v.at[j]], rows_v.at[b], gsem.at[b])

        def put(j, b):
            pltpu.sync_copy(
                rows_v.at[b].at[:, pl.ds(0, EMB)],
                out_hbm.at[pl.ds(base + j * CHUNK, CHUNK)])

        for b in range(nbuf):
            gather(b, b).start()

        def body(g, _):
            for b in range(nbuf):
                j = g * nbuf + b
                gather(j, b).wait()
                put(j, b)
                gather(j + nbuf, b).start()
            return ()

        lax.fori_loop(0, (nchunk - nbuf) // nbuf, body, (), unroll=False)

        for b in range(nbuf):
            j = nchunk - nbuf + b
            gather(j, b).wait()
            put(j, b)

    return gather_kernel


def kernel(inputs, shared_weights):
    b, s = inputs.shape
    total = b * s
    idx = inputs.reshape(NW, total // (NW * CHUNK), CHUNK)
    table = jnp.concatenate(
        [shared_weights,
         jnp.zeros((VOCAB, PAD_EMB - EMB), jnp.float32)], axis=1)
    out = _make_gather(total)(idx, table)
    return out.reshape(b, s, EMB)

# --- scband reference (transcript-rebuilt; emitter-appended) ---
"""Pipeline reference for scband-word-embedding-shared-weights-81905026335005 (READ-ONLY COPY).

The authoritative reference and input builder live on the scoring server;
editing this copy changes nothing except your own understanding.
"""

import jax, jax.numpy as jnp
import numpy as np

VOCAB = 1000000
EMB = 64

def setup_inputs(seed: int = 0) -> dict:
    key = jax.random.key(seed)
    k1, k2 = jax.random.split(key)
    inputs = jax.random.randint(k1, (4096, 200), 0, VOCAB, dtype=jnp.int64 if jax.config.jax_enable_x64 else jnp.int32).astype(jnp.int32)
    shared_weights = (jax.random.normal(k2, (VOCAB, EMB), dtype=jnp.float32) * (EMB ** -0.5))
    return {"inputs": inputs, "shared_weights": shared_weights}

def reference(inputs, shared_weights):
    # mode == 'embedding': emb = tf.gather(shared_weights, inputs)
    emb = jnp.take(shared_weights, inputs, axis=0)
    return emb

if __name__ == "__main__":
    import jax
    _d = setup_inputs()
    print(jax.jit(kernel)(*tuple(_d.values())))

</pallas_src>

<mosaic_0001>
#map = affine_map<(d0, d1) -> (0, 0, 0)>
#map1 = affine_map<(d0, d1) -> (0, 0)>
module attributes {stable_mosaic.version = 14 : i64} {
  func.func @gather_kernel(%arg0: i32, %arg1: i32, %arg2: memref<32x200x128xi32, #tpu.memory_space<hbm>>, %arg3: memref<1000000x128xf32, #tpu.memory_space<hbm>>, %arg4: memref<819200x64xf32, #tpu.memory_space<hbm>>, %arg5: memref<200x128xi32, #tpu.memory_space<vmem>>, %arg6: memref<5x128x128xf32, #tpu.memory_space<vmem>>, %arg7: memref<5x!tpu.dma_semaphore, #tpu.memory_space<semaphore_mem>>) attributes {dimension_semantics = [#tpu.dimension_semantics<core_parallel>, #tpu.dimension_semantics<subcore_parallel>], iteration_bounds = array<i64: 2, 16>, scalar_prefetch = 0 : i64, scratch_operands = 3 : i64, tpu.core_type = #tpu.core_type<sc_vector_subcore>, window_params = [{transform_indices = #map}, {transform_indices = #map1}, {transform_indices = #map1}]} {
    %mul3A = arith.constant 2 : i32
    %mul3A_0 = arith.muli %arg1, %mul3A : i32
    %add3A = arith.addi %mul3A_0, %arg0 : i32
    %mul3A_1 = arith.constant 25600 : i32
    %mul3A_2 = arith.muli %add3A, %mul3A_1 : i32
    "tpu.region"() ({
      %run_scoped3A_169 = tpu.sem_alloc : memref<!tpu.dma_semaphore, #tpu.memory_space<semaphore_mem>>
      %dma_start3A_170 = arith.constant 0 : i32
      %dma_start3A_171 = arith.constant 0 : i32
      %dma_start3A_172 = tpu.memref_slice %arg2[%add3A, %dma_start3A_170, %dma_start3A_171] : memref<32x200x128xi32, #tpu.memory_space<hbm>> -> memref<1x200x128xi32, #tpu.memory_space<hbm>>
      %dma_start3A_173 = tpu.memref_squeeze %dma_start3A_172 : memref<1x200x128xi32, #tpu.memory_space<hbm>> -> memref<200x128xi32, #tpu.memory_space<hbm>>
      %dma_start3A_174 = arith.constant 0 : i32
      %dma_start3A_175 = arith.constant 0 : i32
      %dma_start3A_176 = tpu.memref_slice %arg2[%add3A, %dma_start3A_174, %dma_start3A_175] : memref<32x200x128xi32, #tpu.memory_space<hbm>> -> memref<1x200x128xi32, #tpu.memory_space<hbm>>
      %dma_start3A_177 = tpu.memref_squeeze %dma_start3A_176 : memref<1x200x128xi32, #tpu.memory_space<hbm>> -> memref<200x128xi32, #tpu.memory_space<hbm>>
      tpu.enqueue_dma source(%dma_start3A_177 : memref<200x128xi32, #tpu.memory_space<hbm>>) target(%arg5 : memref<200x128xi32, #tpu.memory_space<vmem>>) target_semaphore(%run_scoped3A_169 : memref<!tpu.dma_semaphore, #tpu.memory_space<semaphore_mem>>)
      %dma_wait3A_178 = arith.constant 0 : i32
      %dma_wait3A_179 = arith.constant 0 : i32
      %dma_wait3A_180 = tpu.memref_slice %arg2[%add3A, %dma_wait3A_178, %dma_wait3A_179] : memref<32x200x128xi32, #tpu.memory_space<hbm>> -> memref<1x200x128xi32, #tpu.memory_space<hbm>>
      %dma_wait3A_181 = tpu.memref_squeeze %dma_wait3A_180 : memref<1x200x128xi32, #tpu.memory_space<hbm>> -> memref<200x128xi32, #tpu.memory_space<hbm>>
      %dma_wait3A_182 = arith.constant 0 : i32
      %dma_wait3A_183 = arith.constant 0 : i32
      %dma_wait3A_184 = tpu.memref_slice %arg2[%add3A, %dma_wait3A_182, %dma_wait3A_183] : memref<32x200x128xi32, #tpu.memory_space<hbm>> -> memref<1x200x128xi32, #tpu.memory_space<hbm>>
      %dma_wait3A_185 = tpu.memref_squeeze %dma_wait3A_184 : memref<1x200x128xi32, #tpu.memory_space<hbm>> -> memref<200x128xi32, #tpu.memory_space<hbm>>
      tpu.wait_dma2 semaphore(%run_scoped3A_169 : memref<!tpu.dma_semaphore, #tpu.memory_space<semaphore_mem>>) src(%dma_wait3A_185 : memref<200x128xi32, #tpu.memory_space<hbm>>) dst(%arg5 : memref<200x128xi32, #tpu.memory_space<vmem>>)
      tpu.yield
    }) : () -> ()
    %dma_start3A = arith.constant 0 : i32
    %dma_start3A_3 = arith.constant 0 : i32
    %dma_start3A_4 = arith.constant 0 : i32
    %dma_start3A_5 = arith.constant 0 : i32
    %dma_start3A_6 = arith.constant 0 : i32
    %dma_start3A_7 = tpu.memref_slice %arg6[%dma_start3A_3, %dma_start3A_5, %dma_start3A_6] : memref<5x128x128xf32, #tpu.memory_space<vmem>> -> memref<1x128x128xf32, #tpu.memory_space<vmem>>
    %dma_start3A_8 = tpu.memref_squeeze %dma_start3A_7 : memref<1x128x128xf32, #tpu.memory_space<vmem>> -> memref<128x128xf32, #tpu.memory_space<vmem>>
    %dma_start3A_9 = arith.constant 0 : i32
    %dma_start3A_10 = tpu.memref_slice %arg5[%dma_start3A, %dma_start3A_9] : memref<200x128xi32, #tpu.memory_space<vmem>> -> memref<1x128xi32, #tpu.memory_space<vmem>>
    %dma_start3A_11 = tpu.memref_squeeze %dma_start3A_10 : memref<1x128xi32, #tpu.memory_space<vmem>> -> memref<128xi32, #tpu.memory_space<vmem>>
    %dma_start3A_12 = arith.constant 0 : i32
    %dma_start3A_13 = arith.constant 0 : i32
    %dma_start3A_14 = tpu.memref_slice %arg3[%dma_start3A_12, %dma_start3A_13] : memref<1000000x128xf32, #tpu.memory_space<hbm>> -> memref<1000000x128xf32, #tpu.memory_space<hbm>>
    %dma_start3A_15 = tpu.memref_slice %arg7[%dma_start3A_4] : memref<5x!tpu.dma_semaphore, #tpu.memory_space<semaphore_mem>> -> memref<1x!tpu.dma_semaphore, #tpu.memory_space<semaphore_mem>>
    %dma_start3A_16 = tpu.memref_squeeze %dma_start3A_15 : memref<1x!tpu.dma_semaphore, #tpu.memory_space<semaphore_mem>> -> memref<!tpu.dma_semaphore, #tpu.memory_space<semaphore_mem>>
    tpu.enqueue_indirect_dma source(%dma_start3A_14 : memref<1000000x128xf32, #tpu.memory_space<hbm>>) target(%dma_start3A_8 : memref<128x128xf32, #tpu.memory_space<vmem>>) offsets(%dma_start3A_11 : memref<128xi32, #tpu.memory_space<vmem>>) semaphore(%dma_start3A_16 : memref<!tpu.dma_semaphore, #tpu.memory_space<semaphore_mem>>)
    %dma_start3A_17 = arith.constant 1 : i32
    %dma_start3A_18 = arith.constant 1 : i32
    %dma_start3A_19 = arith.constant 1 : i32
    %dma_start3A_20 = arith.constant 0 : i32
    %dma_start3A_21 = arith.constant 0 : i32
    %dma_start3A_22 = tpu.memref_slice %arg6[%dma_start3A_18, %dma_start3A_20, %dma_start3A_21] : memref<5x128x128xf32, #tpu.memory_space<vmem>> -> memref<1x128x128xf32, #tpu.memory_space<vmem>>
    %dma_start3A_23 = tpu.memref_squeeze %dma_start3A_22 : memref<1x128x128xf32, #tpu.memory_space<vmem>> -> memref<128x128xf32, #tpu.memory_space<vmem>>
    %dma_start3A_24 = arith.constant 0 : i32
    %dma_start3A_25 = tpu.memref_slice %arg5[%dma_start3A_17, %dma_start3A_24] : memref<200x128xi32, #tpu.memory_space<vmem>> -> memref<1x128xi32, #tpu.memory_space<vmem>>
    %dma_start3A_26 = tpu.memref_squeeze %dma_start3A_25 : memref<1x128xi32, #tpu.memory_space<vmem>> -> memref<128xi32, #tpu.memory_space<vmem>>
    %dma_start3A_27 = arith.constant 0 : i32
    %dma_start3A_28 = arith.constant 0 : i32
    %dma_start3A_29 = tpu.memref_slice %arg3[%dma_start3A_27, %dma_start3A_28] : memref<1000000x128xf32, #tpu.memory_space<hbm>> -> memref<1000000x128xf32, #tpu.memory_space<hbm>>
    %dma_start3A_30 = tpu.memref_slice %arg7[%dma_start3A_19] : memref<5x!tpu.dma_semaphore, #tpu.memory_space<semaphore_mem>> -> memref<1x!tpu.dma_semaphore, #tpu.memory_space<semaphore_mem>>
    %dma_start3A_31 = tpu.memref_squeeze %dma_start3A_30 : memref<1x!tpu.dma_semaphore, #tpu.memory_space<semaphore_mem>> -> memref<!tpu.dma_semaphore, #tpu.memory_space<semaphore_mem>>
    tpu.enqueue_indirect_dma source(%dma_start3A_29 : memref<1000000x128xf32, #tpu.memory_space<hbm>>) target(%dma_start3A_23 : memref<128x128xf32, #tpu.memory_space<vmem>>) offsets(%dma_start3A_26 : memref<128xi32, #tpu.memory_space<vmem>>) semaphore(%dma_start3A_31 : memref<!tpu.dma_semaphore, #tpu.memory_space<semaphore_mem>>)
    %dma_start3A_32 = arith.constant 2 : i32
    %dma_start3A_33 = arith.constant 2 : i32
    %dma_start3A_34 = arith.constant 2 : i32
    %dma_start3A_35 = arith.constant 0 : i32
    %dma_start3A_36 = arith.constant 0 : i32
    %dma_start3A_37 = tpu.memref_slice %arg6[%dma_start3A_33, %dma_start3A_35, %dma_start3A_36] : memref<5x128x128xf32, #tpu.memory_space<vmem>> -> memref<1x128x128xf32, #tpu.memory_space<vmem>>
    %dma_start3A_38 = tpu.memref_squeeze %dma_start3A_37 : memref<1x128x128xf32, #tpu.memory_space<vmem>> -> memref<128x128xf32, #tpu.memory_space<vmem>>
    %dma_start3A_39 = arith.constant 0 : i32
    %dma_start3A_40 = tpu.memref_slice %arg5[%dma_start3A_32, %dma_start3A_39] : memref<200x128xi32, #tpu.memory_space<vmem>> -> memref<1x128xi32, #tpu.memory_space<vmem>>
    %dma_start3A_41 = tpu.memref_squeeze %dma_start3A_40 : memref<1x128xi32, #tpu.memory_space<vmem>> -> memref<128xi32, #tpu.memory_space<vmem>>
    %dma_start3A_42 = arith.constant 0 : i32
    %dma_start3A_43 = arith.constant 0 : i32
    %dma_start3A_44 = tpu.memref_slice %arg3[%dma_start3A_42, %dma_start3A_43] : memref<1000000x128xf32, #tpu.memory_space<hbm>> -> memref<1000000x128xf32, #tpu.memory_space<hbm>>
    %dma_start3A_45 = tpu.memref_slice %arg7[%dma_start3A_34] : memref<5x!tpu.dma_semaphore, #tpu.memory_space<semaphore_mem>> -> memref<1x!tpu.dma_semaphore, #tpu.memory_space<semaphore_mem>>
    %dma_start3A_46 = tpu.memref_squeeze %dma_start3A_45 : memref<1x!tpu.dma_semaphore, #tpu.memory_space<semaphore_mem>> -> memref<!tpu.dma_semaphore, #tpu.memory_space<semaphore_mem>>
    tpu.enqueue_indirect_dma source(%dma_start3A_44 : memref<1000000x128xf32, #tpu.memory_space<hbm>>) target(%dma_start3A_38 : memref<128x128xf32, #tpu.memory_space<vmem>>) offsets(%dma_start3A_41 : memref<128xi32, #tpu.memory_space<vmem>>) semaphore(%dma_start3A_46 : memref<!tpu.dma_semaphore, #tpu.memory_space<semaphore_mem>>)
    %dma_start3A_47 = arith.constant 3 : i32
    %dma_start3A_48 = arith.constant 3 : i32
    %dma_start3A_49 = arith.constant 3 : i32
    %dma_start3A_50 = arith.constant 0 : i32
    %dma_start3A_51 = arith.constant 0 : i32
    %dma_start3A_52 = tpu.memref_slice %arg6[%dma_start3A_48, %dma_start3A_50, %dma_start3A_51] : memref<5x128x128xf32, #tpu.memory_space<vmem>> -> memref<1x128x128xf32, #tpu.memory_space<vmem>>
    %dma_start3A_53 = tpu.memref_squeeze %dma_start3A_52 : memref<1x128x128xf32, #tpu.memory_space<vmem>> -> memref<128x128xf32, #tpu.memory_space<vmem>>
    %dma_start3A_54 = arith.constant 0 : i32
    %dma_start3A_55 = tpu.memref_slice %arg5[%dma_start3A_47, %dma_start3A_54] : memref<200x128xi32, #tpu.memory_space<vmem>> -> memref<1x128xi32, #tpu.memory_space<vmem>>
    %dma_start3A_56 = tpu.memref_squeeze %dma_start3A_55 : memref<1x128xi32, #tpu.memory_space<vmem>> -> memref<128xi32, #tpu.memory_space<vmem>>
    %dma_start3A_57 = arith.constant 0 : i32
    %dma_start3A_58 = arith.constant 0 : i32
    %dma_start3A_59 = tpu.memref_slice %arg3[%dma_start3A_57, %dma_start3A_58] : memref<1000000x128xf32, #tpu.memory_space<hbm>> -> memref<1000000x128xf32, #tpu.memory_space<hbm>>
    %dma_start3A_60 = tpu.memref_slice %arg7[%dma_start3A_49] : memref<5x!tpu.dma_semaphore, #tpu.memory_space<semaphore_mem>> -> memref<1x!tpu.dma_semaphore, #tpu.memory_space<semaphore_mem>>
    %dma_start3A_61 = tpu.memref_squeeze %dma_start3A_60 : memref<1x!tpu.dma_semaphore, #tpu.memory_space<semaphore_mem>> -> memref<!tpu.dma_semaphore, #tpu.memory_space<semaphore_mem>>
    tpu.enqueue_indirect_dma source(%dma_start3A_59 : memref<1000000x128xf32, #tpu.memory_space<hbm>>) target(%dma_start3A_53 : memref<128x128xf32, #tpu.memory_space<vmem>>) offsets(%dma_start3A_56 : memref<128xi32, #tpu.memory_space<vmem>>) semaphore(%dma_start3A_61 : memref<!tpu.dma_semaphore, #tpu.memory_space<semaphore_mem>>)
    %dma_start3A_62 = arith.constant 4 : i32
    %dma_start3A_63 = arith.constant 4 : i32
    %dma_start3A_64 = arith.constant 4 : i32
    %dma_start3A_65 = arith.constant 0 : i32
    %dma_start3A_66 = arith.constant 0 : i32
    %dma_start3A_67 = tpu.memref_slice %arg6[%dma_start3A_63, %dma_start3A_65, %dma_start3A_66] : memref<5x128x128xf32, #tpu.memory_space<vmem>> -> memref<1x128x128xf32, #tpu.memory_space<vmem>>
    %dma_start3A_68 = tpu.memref_squeeze %dma_start3A_67 : memref<1x128x128xf32, #tpu.memory_space<vmem>> -> memref<128x128xf32, #tpu.memory_space<vmem>>
    %dma_start3A_69 = arith.constant 0 : i32
    %dma_start3A_70 = tpu.memref_slice %arg5[%dma_start3A_62, %dma_start3A_69] : memref<200x128xi32, #tpu.memory_space<vmem>> -> memref<1x128xi32, #tpu.memory_space<vmem>>
    %dma_start3A_71 = tpu.memref_squeeze %dma_start3A_70 : memref<1x128xi32, #tpu.memory_space<vmem>> -> memref<128xi32, #tpu.memory_space<vmem>>
    %dma_start3A_72 = arith.constant 0 : i32
    %dma_start3A_73 = arith.constant 0 : i32
    %dma_start3A_74 = tpu.memref_slice %arg3[%dma_start3A_72, %dma_start3A_73] : memref<1000000x128xf32, #tpu.memory_space<hbm>> -> memref<1000000x128xf32, #tpu.memory_space<hbm>>
    %dma_start3A_75 = tpu.memref_slice %arg7[%dma_start3A_64] : memref<5x!tpu.dma_semaphore, #tpu.memory_space<semaphore_mem>> -> memref<1x!tpu.dma_semaphore, #tpu.memory_space<semaphore_mem>>
    %dma_start3A_76 = tpu.memref_squeeze %dma_start3A_75 : memref<1x!tpu.dma_semaphore, #tpu.memory_space<semaphore_mem>> -> memref<!tpu.dma_semaphore, #tpu.memory_space<semaphore_mem>>
    tpu.enqueue_indirect_dma source(%dma_start3A_74 : memref<1000000x128xf32, #tpu.memory_space<hbm>>) target(%dma_start3A_68 : memref<128x128xf32, #tpu.memory_space<vmem>>) offsets(%dma_start3A_71 : memref<128xi32, #tpu.memory_space<vmem>>) semaphore(%dma_start3A_76 : memref<!tpu.dma_semaphore, #tpu.memory_space<semaphore_mem>>)
    %scan3A = arith.constant 0 : i32
    %scan3A_77 = arith.constant 39 : i32
    %scan3A_78 = arith.addi %scan3A, %scan3A_77 : i32
    %scan3A_79 = arith.constant 1 : i32
    scf.for %scan3A_169 = %scan3A to %scan3A_78 step %scan3A_79  : i32 {
      %mul3A_170 = arith.constant 5 : i32
      %mul3A_171 = arith.muli %scan3A_169, %mul3A_170 : i32
      %add3A_172 = arith.constant 0 : i32
      %add3A_173 = arith.addi %mul3A_171, %add3A_172 : i32
      %dma_wait3A_174 = arith.constant 0 : i32
      %dma_wait3A_175 = arith.constant 0 : i32
      %dma_wait3A_176 = arith.constant 0 : i32
      %dma_wait3A_177 = arith.constant 0 : i32
      %dma_wait3A_178 = tpu.memref_slice %arg6[%dma_wait3A_174, %dma_wait3A_176, %dma_wait3A_177] : memref<5x128x128xf32, #tpu.memory_space<vmem>> -> memref<1x128x128xf32, #tpu.memory_space<vmem>>
      %dma_wait3A_179 = tpu.memref_squeeze %dma_wait3A_178 : memref<1x128x128xf32, #tpu.memory_space<vmem>> -> memref<128x128xf32, #tpu.memory_space<vmem>>
      %dma_wait3A_180 = arith.constant 0 : i32
      %dma_wait3A_181 = tpu.memref_slice %arg5[%add3A_173, %dma_wait3A_180] : memref<200x128xi32, #tpu.memory_space<vmem>> -> memref<1x128xi32, #tpu.memory_space<vmem>>
      %dma_wait3A_182 = tpu.memref_squeeze %dma_wait3A_181 : memref<1x128xi32, #tpu.memory_space<vmem>> -> memref<128xi32, #tpu.memory_space<vmem>>
      %dma_wait3A_183 = arith.constant 0 : i32
      %dma_wait3A_184 = arith.constant 0 : i32
      %dma_wait3A_185 = tpu.memref_slice %arg3[%dma_wait3A_183, %dma_wait3A_184] : memref<1000000x128xf32, #tpu.memory_space<hbm>> -> memref<1000000x128xf32, #tpu.memory_space<hbm>>
      %dma_wait3A_186 = tpu.memref_slice %arg7[%dma_wait3A_175] : memref<5x!tpu.dma_semaphore, #tpu.memory_space<semaphore_mem>> -> memref<1x!tpu.dma_semaphore, #tpu.memory_space<semaphore_mem>>
      %dma_wait3A_187 = tpu.memref_squeeze %dma_wait3A_186 : memref<1x!tpu.dma_semaphore, #tpu.memory_space<semaphore_mem>> -> memref<!tpu.dma_semaphore, #tpu.memory_space<semaphore_mem>>
      tpu.wait_indirect_dma semaphore(%dma_wait3A_187 : memref<!tpu.dma_semaphore, #tpu.memory_space<semaphore_mem>>) src(%dma_wait3A_185 : memref<1000000x128xf32, #tpu.memory_space<hbm>>) dst(%dma_wait3A_179 : memref<128x128xf32, #tpu.memory_space<vmem>>)
      %mul3A_188 = arith.constant 128 : i32
      %mul3A_189 = arith.muli %add3A_173, %mul3A_188 : i32
      %add3A_190 = arith.addi %mul3A_2, %mul3A_189 : i32
      %run_scoped3A_191 = arith.constant 0 : i32
      "tpu.region"() ({
        %run_scoped3A_360 = tpu.sem_alloc : memref<!tpu.dma_semaphore, #tpu.memory_space<semaphore_mem>>
        %dma_start3A_361 = arith.constant 0 : i32
        %dma_start3A_362 = arith.constant 0 : i32
        %dma_start3A_363 = tpu.memref_slice %arg6[%run_scoped3A_191, %dma_start3A_361, %dma_start3A_362] : memref<5x128x128xf32, #tpu.memory_space<vmem>> -> memref<1x128x128xf32, #tpu.memory_space<vmem>>
        %dma_start3A_364 = tpu.memref_squeeze %dma_start3A_363 : memref<1x128x128xf32, #tpu.memory_space<vmem>> -> memref<128x128xf32, #tpu.memory_space<vmem>>
        %dma_start3A_365 = arith.constant 0 : i32
        %dma_start3A_366 = arith.constant 0 : i32
        %dma_start3A_367 = tpu.memref_slice %dma_start3A_364[%dma_start3A_365, %dma_start3A_366] : memref<128x128xf32, #tpu.memory_space<vmem>> -> memref<128x64xf32, #tpu.memory_space<vmem>>
        %dma_start3A_368 = arith.constant 0 : i32
        %dma_start3A_369 = tpu.memref_slice %arg4[%add3A_190, %dma_start3A_368] : memref<819200x64xf32, #tpu.memory_space<hbm>> -> memref<128x64xf32, #tpu.memory_space<hbm>>
        %dma_start3A_370 = arith.constant 0 : i32
        %dma_start3A_371 = tpu.memref_slice %arg4[%add3A_190, %dma_start3A_370] : memref<819200x64xf32, #tpu.memory_space<hbm>> -> memref<128x64xf32, #tpu.memory_space<hbm>>
        %dma_start3A_372 = arith.constant 0 : i32
        %dma_start3A_373 = arith.constant 0 : i32
        %dma_start3A_374 = tpu.memref_slice %arg6[%run_scoped3A_191, %dma_start3A_372, %dma_start3A_373] : memref<5x128x128xf32, #tpu.memory_space<vmem>> -> memref<1x128x128xf32, #tpu.memory_space<vmem>>
        %dma_start3A_375 = tpu.memref_squeeze %dma_start3A_374 : memref<1x128x128xf32, #tpu.memory_space<vmem>> -> memref<128x128xf32, #tpu.memory_space<vmem>>
        %dma_start3A_376 = arith.constant 0 : i32
        %dma_start3A_377 = arith.constant 0 : i32
        %dma_start3A_378 = tpu.memref_slice %dma_start3A_375[%dma_start3A_376, %dma_start3A_377] : memref<128x128xf32, #tpu.memory_space<vmem>> -> memref<128x64xf32, #tpu.memory_space<vmem>>
        tpu.enqueue_dma source(%dma_start3A_378 : memref<128x64xf32, #tpu.memory_space<vmem>>) target(%dma_start3A_371 : memref<128x64xf32, #tpu.memory_space<hbm>>) target_semaphore(%run_scoped3A_360 : memref<!tpu.dma_semaphore, #tpu.memory_space<semaphore_mem>>)
        %dma_wait3A_379 = arith.constant 0 : i32
        %dma_wait3A_380 = arith.constant 0 : i32
        %dma_wait3A_381 = tpu.memref_slice %arg6[%run_scoped3A_191, %dma_wait3A_379, %dma_wait3A_380] : memref<5x128x128xf32, #tpu.memory_space<vmem>> -> memref<1x128x128xf32, #tpu.memory_space<vmem>>
        %dma_wait3A_382 = tpu.memref_squeeze %dma_wait3A_381 : memref<1x128x128xf32, #tpu.memory_space<vmem>> -> memref<128x128xf32, #tpu.memory_space<vmem>>
        %dma_wait3A_383 = arith.constant 0 : i32
        %dma_wait3A_384 = arith.constant 0 : i32
        %dma_wait3A_385 = tpu.memref_slice %dma_wait3A_382[%dma_wait3A_383, %dma_wait3A_384] : memref<128x128xf32, #tpu.memory_space<vmem>> -> memref<128x64xf32, #tpu.memory_space<vmem>>
        %dma_wait3A_386 = arith.constant 0 : i32
        %dma_wait3A_387 = tpu.memref_slice %arg4[%add3A_190, %dma_wait3A_386] : memref<819200x64xf32, #tpu.memory_space<hbm>> -> memref<128x64xf32, #tpu.memory_space<hbm>>
        %dma_wait3A_388 = arith.constant 0 : i32
        %dma_wait3A_389 = tpu.memref_slice %arg4[%add3A_190, %dma_wait3A_388] : memref<819200x64xf32, #tpu.memory_space<hbm>> -> memref<128x64xf32, #tpu.memory_space<hbm>>
        %dma_wait3A_390 = arith.constant 0 : i32
        %dma_wait3A_391 = arith.constant 0 : i32
        %dma_wait3A_392 = tpu.memref_slice %arg6[%run_scoped3A_191, %dma_wait3A_390, %dma_wait3A_391] : memref<5x128x128xf32, #tpu.memory_space<vmem>> -> memref<1x128x128xf32, #tpu.memory_space<vmem>>
        %dma_wait3A_393 = tpu.memref_squeeze %dma_wait3A_392 : memref<1x128x128xf32, #tpu.memory_space<vmem>> -> memref<128x128xf32, #tpu.memory_space<vmem>>
        %dma_wait3A_394 = arith.constant 0 : i32
        %dma_wait3A_395 = arith.constant 0 : i32
        %dma_wait3A_396 = tpu.memref_slice %dma_wait3A_393[%dma_wait3A_394, %dma_wait3A_395] : memref<128x128xf32, #tpu.memory_space<vmem>> -> memref<128x64xf32, #tpu.memory_space<vmem>>
        tpu.wait_dma2 semaphore(%run_scoped3A_360 : memref<!tpu.dma_semaphore, #tpu.memory_space<semaphore_mem>>) src(%dma_wait3A_396 : memref<128x64xf32, #tpu.memory_space<vmem>>) dst(%dma_wait3A_389 : memref<128x64xf32, #tpu.memory_space<hbm>>)
        tpu.yield
      }) : () -> ()
      %add3A_192 = arith.constant 5 : i32
      %add3A_193 = arith.addi %add3A_173, %add3A_192 : i32
      %dma_start3A_194 = arith.constant 0 : i32
      %dma_start3A_195 = arith.constant 0 : i32
      %dma_start3A_196 = arith.constant 0 : i32
      %dma_start3A_197 = arith.constant 0 : i32
      %dma_start3A_198 = tpu.memref_slice %arg6[%dma_start3A_194, %dma_start3A_196, %dma_start3A_197] : memref<5x128x128xf32, #tpu.memory_space<vmem>> -> memref<1x128x128xf32, #tpu.memory_space<vmem>>
      %dma_start3A_199 = tpu.memref_squeeze %dma_start3A_198 : memref<1x128x128xf32, #tpu.memory_space<vmem>> -> memref<128x128xf32, #tpu.memory_space<vmem>>
      %dma_start3A_200 = arith.constant 0 : i32
      %dma_start3A_201 = tpu.memref_slice %arg5[%add3A_193, %dma_start3A_200] : memref<200x128xi32, #tpu.memory_space<vmem>> -> memref<1x128xi32, #tpu.memory_space<vmem>>
      %dma_start3A_202 = tpu.memref_squeeze %dma_start3A_201 : memref<1x128xi32, #tpu.memory_space<vmem>> -> memref<128xi32, #tpu.memory_space<vmem>>
      %dma_start3A_203 = arith.constant 0 : i32
      %dma_start3A_204 = arith.constant 0 : i32
      %dma_start3A_205 = tpu.memref_slice %arg3[%dma_start3A_203, %dma_start3A_204] : memref<1000000x128xf32, #tpu.memory_space<hbm>> -> memref<1000000x128xf32, #tpu.memory_space<hbm>>
      %dma_start3A_206 = tpu.memref_slice %arg7[%dma_start3A_195] : memref<5x!tpu.dma_semaphore, #tpu.memory_space<semaphore_mem>> -> memref<1x!tpu.dma_semaphore, #tpu.memory_space<semaphore_mem>>
      %dma_start3A_207 = tpu.memref_squeeze %dma_start3A_206 : memref<1x!tpu.dma_semaphore, #tpu.memory_space<semaphore_mem>> -> memref<!tpu.dma_semaphore, #tpu.memory_space<semaphore_mem>>
      tpu.enqueue_indirect_dma source(%dma_start3A_205 : memref<1000000x128xf32, #tpu.memory_space<hbm>>) target(%dma_start3A_199 : memref<128x128xf32, #tpu.memory_space<vmem>>) offsets(%dma_start3A_202 : memref<128xi32, #tpu.memory_space<vmem>>) semaphore(%dma_start3A_207 : memref<!tpu.dma_semaphore, #tpu.memory_space<semaphore_mem>>)
      %mul3A_208 = arith.constant 5 : i32
      %mul3A_209 = arith.muli %scan3A_169, %mul3A_208 : i32
      %add3A_210 = arith.constant 1 : i32
      %add3A_211 = arith.addi %mul3A_209, %add3A_210 : i32
      %dma_wait3A_212 = arith.constant 1 : i32
      %dma_wait3A_213 = arith.constant 1 : i32
      %dma_wait3A_214 = arith.constant 0 : i32
      %dma_wait3A_215 = arith.constant 0 : i32
      %dma_wait3A_216 = tpu.memref_slice %arg6[%dma_wait3A_212, %dma_wait3A_214, %dma_wait3A_215] : memref<5x128x128xf32, #tpu.memory_space<vmem>> -> memref<1x128x128xf32, #tpu.memory_space<vmem>>
      %dma_wait3A_217 = tpu.memref_squeeze %dma_wait3A_216 : memref<1x128x128xf32, #tpu.memory_space<vmem>> -> memref<128x128xf32, #tpu.memory_space<vmem>>
      %dma_wait3A_218 = arith.constant 0 : i32
      %dma_wait3A_219 = tpu.memref_slice %arg5[%add3A_211, %dma_wait3A_218] : memref<200x128xi32, #tpu.memory_space<vmem>> -> memref<1x128xi32, #tpu.memory_space<vmem>>
      %dma_wait3A_220 = tpu.memref_squeeze %dma_wait3A_219 : memref<1x128xi32, #tpu.memory_space<vmem>> -> memref<128xi32, #tpu.memory_space<vmem>>
      %dma_wait3A_221 = arith.constant 0 : i32
      %dma_wait3A_222 = arith.constant 0 : i32
      %dma_wait3A_223 = tpu.memref_slice %arg3[%dma_wait3A_221, %dma_wait3A_222] : memref<1000000x128xf32, #tpu.memory_space<hbm>> -> memref<1000000x128xf32, #tpu.memory_space<hbm>>
      %dma_wait3A_224 = tpu.memref_slice %arg7[%dma_wait3A_213] : memref<5x!tpu.dma_semaphore, #tpu.memory_space<semaphore_mem>> -> memref<1x!tpu.dma_semaphore, #tpu.memory_space<semaphore_mem>>
      %dma_wait3A_225 = tpu.memref_squeeze %dma_wait3A_224 : memref<1x!tpu.dma_semaphore, #tpu.memory_space<semaphore_mem>> -> memref<!tpu.dma_semaphore, #tpu.memory_space<semaphore_mem>>
      tpu.wait_indirect_dma semaphore(%dma_wait3A_225 : memref<!tpu.dma_semaphore, #tpu.memory_space<semaphore_mem>>) src(%dma_wait3A_223 : memref<1000000x128xf32, #tpu.memory_space<hbm>>) dst(%dma_wait3A_217 : memref<128x128xf32, #tpu.memory_space<vmem>>)
      %mul3A_226 = arith.constant 128 : i32
      %mul3A_227 = arith.muli %add3A_211, %mul3A_226 : i32
      %add3A_228 = arith.addi %mul3A_2, %mul3A_227 : i32
      %run_scoped3A_229 = arith.constant 1 : i32
      "tpu.region"() ({
        %run_scoped3A_360 = tpu.sem_alloc : memref<!tpu.dma_semaphore, #tpu.memory_space<semaphore_mem>>
        %dma_start3A_361 = arith.constant 0 : i32
        %dma_start3A_362 = arith.constant 0 : i32
        %dma_start3A_363 = tpu.memref_slice %arg6[%run_scoped3A_229, %dma_start3A_361, %dma_start3A_362] : memref<5x128x128xf32, #tpu.memory_space<vmem>> -> memref<1x128x128xf32, #tpu.memory_space<vmem>>
        %dma_start3A_364 = tpu.memref_squeeze %dma_start3A_363 : memref<1x128x128xf32, #tpu.memory_space<vmem>> -> memref<128x128xf32, #tpu.memory_space<vmem>>
        %dma_start3A_365 = arith.constant 0 : i32
        %dma_start3A_366 = arith.constant 0 : i32
        %dma_start3A_367 = tpu.memref_slice %dma_start3A_364[%dma_start3A_365, %dma_start3A_366] : memref<128x128xf32, #tpu.memory_space<vmem>> -> memref<128x64xf32, #tpu.memory_space<vmem>>
        %dma_start3A_368 = arith.constant 0 : i32
        %dma_start3A_369 = tpu.memref_slice %arg4[%add3A_228, %dma_start3A_368] : memref<819200x64xf32, #tpu.memory_space<hbm>> -> memref<128x64xf32, #tpu.memory_space<hbm>>
        %dma_start3A_370 = arith.constant 0 : i32
        %dma_start3A_371 = tpu.memref_slice %arg4[%add3A_228, %dma_start3A_370] : memref<819200x64xf32, #tpu.memory_space<hbm>> -> memref<128x64xf32, #tpu.memory_space<hbm>>
        %dma_start3A_372 = arith.constant 0 : i32
        %dma_start3A_373 = arith.constant 0 : i32
        %dma_start3A_374 = tpu.memref_slice %arg6[%run_scoped3A_229, %dma_start3A_372, %dma_start3A_373] : memref<5x128x128xf32, #tpu.memory_space<vmem>> -> memref<1x128x128xf32, #tpu.memory_space<vmem>>
        %dma_start3A_375 = tpu.memref_squeeze %dma_start3A_374 : memref<1x128x128xf32, #tpu.memory_space<vmem>> -> memref<128x128xf32, #tpu.memory_space<vmem>>
        %dma_start3A_376 = arith.constant 0 : i32
        %dma_start3A_377 = arith.constant 0 : i32
        %dma_start3A_378 = tpu.memref_slice %dma_start3A_375[%dma_start3A_376, %dma_start3A_377] : memref<128x128xf32, #tpu.memory_space<vmem>> -> memref<128x64xf32, #tpu.memory_space<vmem>>
        tpu.enqueue_dma source(%dma_start3A_378 : memref<128x64xf32, #tpu.memory_space<vmem>>) target(%dma_start3A_371 : memref<128x64xf32, #tpu.memory_space<hbm>>) target_semaphore(%run_scoped3A_360 : memref<!tpu.dma_semaphore, #tpu.memory_space<semaphore_mem>>)
        %dma_wait3A_379 = arith.constant 0 : i32
        %dma_wait3A_380 = arith.constant 0 : i32
        %dma_wait3A_381 = tpu.memref_slice %arg6[%run_scoped3A_229, %dma_wait3A_379, %dma_wait3A_380] : memref<5x128x128xf32, #tpu.memory_space<vmem>> -> memref<1x128x128xf32, #tpu.memory_space<vmem>>
        %dma_wait3A_382 = tpu.memref_squeeze %dma_wait3A_381 : memref<1x128x128xf32, #tpu.memory_space<vmem>> -> memref<128x128xf32, #tpu.memory_space<vmem>>
        %dma_wait3A_383 = arith.constant 0 : i32
        %dma_wait3A_384 = arith.constant 0 : i32
        %dma_wait3A_385 = tpu.memref_slice %dma_wait3A_382[%dma_wait3A_383, %dma_wait3A_384] : memref<128x128xf32, #tpu.memory_space<vmem>> -> memref<128x64xf32, #tpu.memory_space<vmem>>
        %dma_wait3A_386 = arith.constant 0 : i32
        %dma_wait3A_387 = tpu.memref_slice %arg4[%add3A_228, %dma_wait3A_386] : memref<819200x64xf32, #tpu.memory_space<hbm>> -> memref<128x64xf32, #tpu.memory_space<hbm>>
        %dma_wait3A_388 = arith.constant 0 : i32
        %dma_wait3A_389 = tpu.memref_slice %arg4[%add3A_228, %dma_wait3A_388] : memref<819200x64xf32, #tpu.memory_space<hbm>> -> memref<128x64xf32, #tpu.memory_space<hbm>>
        %dma_wait3A_390 = arith.constant 0 : i32
        %dma_wait3A_391 = arith.constant 0 : i32
        %dma_wait3A_392 = tpu.memref_slice %arg6[%run_scoped3A_229, %dma_wait3A_390, %dma_wait3A_391] : memref<5x128x128xf32, #tpu.memory_space<vmem>> -> memref<1x128x128xf32, #tpu.memory_space<vmem>>
        %dma_wait3A_393 = tpu.memref_squeeze %dma_wait3A_392 : memref<1x128x128xf32, #tpu.memory_space<vmem>> -> memref<128x128xf32, #tpu.memory_space<vmem>>
        %dma_wait3A_394 = arith.constant 0 : i32
        %dma_wait3A_395 = arith.constant 0 : i32
        %dma_wait3A_396 = tpu.memref_slice %dma_wait3A_393[%dma_wait3A_394, %dma_wait3A_395] : memref<128x128xf32, #tpu.memory_space<vmem>> -> memref<128x64xf32, #tpu.memory_space<vmem>>
        tpu.wait_dma2 semaphore(%run_scoped3A_360 : memref<!tpu.dma_semaphore, #tpu.memory_space<semaphore_mem>>) src(%dma_wait3A_396 : memref<128x64xf32, #tpu.memory_space<vmem>>) dst(%dma_wait3A_389 : memref<128x64xf32, #tpu.memory_space<hbm>>)
        tpu.yield
      }) : () -> ()
      %add3A_230 = arith.constant 5 : i32
      %add3A_231 = arith.addi %add3A_211, %add3A_230 : i32
      %dma_start3A_232 = arith.constant 1 : i32
      %dma_start3A_233 = arith.constant 1 : i32
      %dma_start3A_234 = arith.constant 0 : i32
      %dma_start3A_235 = arith.constant 0 : i32
      %dma_start3A_236 = tpu.memref_slice %arg6[%dma_start3A_232, %dma_start3A_234, %dma_start3A_235] : memref<5x128x128xf32, #tpu.memory_space<vmem>> -> memref<1x128x128xf32, #tpu.memory_space<vmem>>
      %dma_start3A_237 = tpu.memref_squeeze %dma_start3A_236 : memref<1x128x128xf32, #tpu.memory_space<vmem>> -> memref<128x128xf32, #tpu.memory_space<vmem>>
      %dma_start3A_238 = arith.constant 0 : i32
      %dma_start3A_239 = tpu.memref_slice %arg5[%add3A_231, %dma_start3A_238] : memref<200x128xi32, #tpu.memory_space<vmem>> -> memref<1x128xi32, #tpu.memory_space<vmem>>
      %dma_start3A_240 = tpu.memref_squeeze %dma_start3A_239 : memref<1x128xi32, #tpu.memory_space<vmem>> -> memref<128xi32, #tpu.memory_space<vmem>>
      %dma_start3A_241 = arith.constant 0 : i32
      %dma_start3A_242 = arith.constant 0 : i32
      %dma_start3A_243 = tpu.memref_slice %arg3[%dma_start3A_241, %dma_start3A_242] : memref<1000000x128xf32, #tpu.memory_space<hbm>> -> memref<1000000x128xf32, #tpu.memory_space<hbm>>
      %dma_start3A_244 = tpu.memref_slice %arg7[%dma_start3A_233] : memref<5x!tpu.dma_semaphore, #tpu.memory_space<semaphore_mem>> -> memref<1x!tpu.dma_semaphore, #tpu.memory_space<semaphore_mem>>
      %dma_start3A_245 = tpu.memref_squeeze %dma_start3A_244 : memref<1x!tpu.dma_semaphore, #tpu.memory_space<semaphore_mem>> -> memref<!tpu.dma_semaphore, #tpu.memory_space<semaphore_mem>>
      tpu.enqueue_indirect_dma source(%dma_start3A_243 : memref<1000000x128xf32, #tpu.memory_space<hbm>>) target(%dma_start3A_237 : memref<128x128xf32, #tpu.memory_space<vmem>>) offsets(%dma_start3A_240 : memref<128xi32, #tpu.memory_space<vmem>>) semaphore(%dma_start3A_245 : memref<!tpu.dma_semaphore, #tpu.memory_space<semaphore_mem>>)
      %mul3A_246 = arith.constant 5 : i32
      %mul3A_247 = arith.muli %scan3A_169, %mul3A_246 : i32
      %add3A_248 = arith.constant 2 : i32
      %add3A_249 = arith.addi %mul3A_247, %add3A_248 : i32
      %dma_wait3A_250 = arith.constant 2 : i32
      %dma_wait3A_251 = arith.constant 2 : i32
      %dma_wait3A_252 = arith.constant 0 : i32
      %dma_wait3A_253 = arith.constant 0 : i32
      %dma_wait3A_254 = tpu.memref_slice %arg6[%dma_wait3A_250, %dma_wait3A_252, %dma_wait3A_253] : memref<5x128x128xf32, #tpu.memory_space<vmem>> -> memref<1x128x128xf32, #tpu.memory_space<vmem>>
      %dma_wait3A_255 = tpu.memref_squeeze %dma_wait3A_254 : memref<1x128x128xf32, #tpu.memory_space<vmem>> -> memref<128x128xf32, #tpu.memory_space<vmem>>
      %dma_wait3A_256 = arith.constant 0 : i32
      %dma_wait3A_257 = tpu.memref_slice %arg5[%add3A_249, %dma_wait3A_256] : memref<200x128xi32, #tpu.memory_space<vmem>> -> memref<1x128xi32, #tpu.memory_space<vmem>>
      %dma_wait3A_258 = tpu.memref_squeeze %dma_wait3A_257 : memref<1x128xi32, #tpu.memory_space<vmem>> -> memref<128xi32, #tpu.memory_space<vmem>>
      %dma_wait3A_259 = arith.constant 0 : i32
      %dma_wait3A_260 = arith.constant 0 : i32
      %dma_wait3A_261 = tpu.memref_slice %arg3[%dma_wait3A_259, %dma_wait3A_260] : memref<1000000x128xf32, #tpu.memory_space<hbm>> -> memref<1000000x128xf32, #tpu.memory_space<hbm>>
      %dma_wait3A_262 = tpu.memref_slice %arg7[%dma_wait3A_251] : memref<5x!tpu.dma_semaphore, #tpu.memory_space<semaphore_mem>> -> memref<1x!tpu.dma_semaphore, #tpu.memory_space<semaphore_mem>>
      %dma_wait3A_263 = tpu.memref_squeeze %dma_wait3A_262 : memref<1x!tpu.dma_semaphore, #tpu.memory_space<semaphore_mem>> -> memref<!tpu.dma_semaphore, #tpu.memory_space<semaphore_mem>>
      tpu.wait_indirect_dma semaphore(%dma_wait3A_263 : memref<!tpu.dma_semaphore, #tpu.memory_space<semaphore_mem>>) src(%dma_wait3A_261 : memref<1000000x128xf32, #tpu.memory_space<hbm>>) dst(%dma_wait3A_255 : memref<128x128xf32, #tpu.memory_space<vmem>>)
      %mul3A_264 = arith.constant 128 : i32
      %mul3A_265 = arith.muli %add3A_249, %mul3A_264 : i32
      %add3A_266 = arith.addi %mul3A_2, %mul3A_265 : i32
      %run_scoped3A_267 = arith.constant 2 : i32
      "tpu.region"() ({
        %run_scoped3A_360 = tpu.sem_alloc : memref<!tpu.dma_semaphore, #tpu.memory_space<semaphore_mem>>
        %dma_start3A_361 = arith.constant 0 : i32
        %dma_start3A_362 = arith.constant 0 : i32
        %dma_start3A_363 = tpu.memref_slice %arg6[%run_scoped3A_267, %dma_start3A_361, %dma_start3A_362] : memref<5x128x128xf32, #tpu.memory_space<vmem>> -> memref<1x128x128xf32, #tpu.memory_space<vmem>>
        %dma_start3A_364 = tpu.memref_squeeze %dma_start3A_363 : memref<1x128x128xf32, #tpu.memory_space<vmem>> -> memref<128x128xf32, #tpu.memory_space<vmem>>
        %dma_start3A_365 = arith.constant 0 : i32
        %dma_start3A_366 = arith.constant 0 : i32
        %dma_start3A_367 = tpu.memref_slice %dma_start3A_364[%dma_start3A_365, %dma_start3A_366] : memref<128x128xf32, #tpu.memory_space<vmem>> -> memref<128x64xf32, #tpu.memory_space<vmem>>
        %dma_start3A_368 = arith.constant 0 : i32
        %dma_start3A_369 = tpu.memref_slice %arg4[%add3A_266, %dma_start3A_368] : memref<819200x64xf32, #tpu.memory_space<hbm>> -> memref<128x64xf32, #tpu.memory_space<hbm>>
        %dma_start3A_370 = arith.constant 0 : i32
        %dma_start3A_371 = tpu.memref_slice %arg4[%add3A_266, %dma_start3A_370] : memref<819200x64xf32, #tpu.memory_space<hbm>> -> memref<128x64xf32, #tpu.memory_space<hbm>>
        %dma_start3A_372 = arith.constant 0 : i32
        %dma_start3A_373 = arith.constant 0 : i32
        %dma_start3A_374 = tpu.memref_slice %arg6[%run_scoped3A_267, %dma_start3A_372, %dma_start3A_373] : memref<5x128x128xf32, #tpu.memory_space<vmem>> -> memref<1x128x128xf32, #tpu.memory_space<vmem>>
        %dma_start3A_375 = tpu.memref_squeeze %dma_start3A_374 : memref<1x128x128xf32, #tpu.memory_space<vmem>> -> memref<128x128xf32, #tpu.memory_space<vmem>>
        %dma_start3A_376 = arith.constant 0 : i32
        %dma_start3A_377 = arith.constant 0 : i32
        %dma_start3A_378 = tpu.memref_slice %dma_start3A_375[%dma_start3A_376, %dma_start3A_377] : memref<128x128xf32, #tpu.memory_space<vmem>> -> memref<128x64xf32, #tpu.memory_space<vmem>>
        tpu.enqueue_dma source(%dma_start3A_378 : memref<128x64xf32, #tpu.memory_space<vmem>>) target(%dma_start3A_371 : memref<128x64xf32, #tpu.memory_space<hbm>>) target_semaphore(%run_scoped3A_360 : memref<!tpu.dma_semaphore, #tpu.memory_space<semaphore_mem>>)
        %dma_wait3A_379 = arith.constant 0 : i32
        %dma_wait3A_380 = arith.constant 0 : i32
        %dma_wait3A_381 = tpu.memref_slice %arg6[%run_scoped3A_267, %dma_wait3A_379, %dma_wait3A_380] : memref<5x128x128xf32, #tpu.memory_space<vmem>> -> memref<1x128x128xf32, #tpu.memory_space<vmem>>
        %dma_wait3A_382 = tpu.memref_squeeze %dma_wait3A_381 : memref<1x128x128xf32, #tpu.memory_space<vmem>> -> memref<128x128xf32, #tpu.memory_space<vmem>>
        %dma_wait3A_383 = arith.constant 0 : i32
        %dma_wait3A_384 = arith.constant 0 : i32
        %dma_wait3A_385 = tpu.memref_slice %dma_wait3A_382[%dma_wait3A_383, %dma_wait3A_384] : memref<128x128xf32, #tpu.memory_space<vmem>> -> memref<128x64xf32, #tpu.memory_space<vmem>>
        %dma_wait3A_386 = arith.constant 0 : i32
        %dma_wait3A_387 = tpu.memref_slice %arg4[%add3A_266, %dma_wait3A_386] : memref<819200x64xf32, #tpu.memory_space<hbm>> -> memref<128x64xf32, #tpu.memory_space<hbm>>
        %dma_wait3A_388 = arith.constant 0 : i32
        %dma_wait3A_389 = tpu.memref_slice %arg4[%add3A_266, %dma_wait3A_388] : memref<819200x64xf32, #tpu.memory_space<hbm>> -> memref<128x64xf32, #tpu.memory_space<hbm>>
        %dma_wait3A_390 = arith.constant 0 : i32
        %dma_wait3A_391 = arith.constant 0 : i32
        %dma_wait3A_392 = tpu.memref_slice %arg6[%run_scoped3A_267, %dma_wait3A_390, %dma_wait3A_391] : memref<5x128x128xf32, #tpu.memory_space<vmem>> -> memref<1x128x128xf32, #tpu.memory_space<vmem>>
        %dma_wait3A_393 = tpu.memref_squeeze %dma_wait3A_392 : memref<1x128x128xf32, #tpu.memory_space<vmem>> -> memref<128x128xf32, #tpu.memory_space<vmem>>
        %dma_wait3A_394 = arith.constant 0 : i32
        %dma_wait3A_395 = arith.constant 0 : i32
        %dma_wait3A_396 = tpu.memref_slice %dma_wait3A_393[%dma_wait3A_394, %dma_wait3A_395] : memref<128x128xf32, #tpu.memory_space<vmem>> -> memref<128x64xf32, #tpu.memory_space<vmem>>
        tpu.wait_dma2 semaphore(%run_scoped3A_360 : memref<!tpu.dma_semaphore, #tpu.memory_space<semaphore_mem>>) src(%dma_wait3A_396 : memref<128x64xf32, #tpu.memory_space<vmem>>) dst(%dma_wait3A_389 : memref<128x64xf32, #tpu.memory_space<hbm>>)
        tpu.yield
      }) : () -> ()
      %add3A_268 = arith.constant 5 : i32
      %add3A_269 = arith.addi %add3A_249, %add3A_268 : i32
      %dma_start3A_270 = arith.constant 2 : i32
      %dma_start3A_271 = arith.constant 2 : i32
      %dma_start3A_272 = arith.constant 0 : i32
      %dma_start3A_273 = arith.constant 0 : i32
      %dma_start3A_274 = tpu.memref_slice %arg6[%dma_start3A_270, %dma_start3A_272, %dma_start3A_273] : memref<5x128x128xf32, #tpu.memory_space<vmem>> -> memref<1x128x128xf32, #tpu.memory_space<vmem>>
      %dma_start3A_275 = tpu.memref_squeeze %dma_start3A_274 : memref<1x128x128xf32, #tpu.memory_space<vmem>> -> memref<128x128xf32, #tpu.memory_space<vmem>>
      %dma_start3A_276 = arith.constant 0 : i32
      %dma_start3A_277 = tpu.memref_slice %arg5[%add3A_269, %dma_start3A_276] : memref<200x128xi32, #tpu.memory_space<vmem>> -> memref<1x128xi32, #tpu.memory_space<vmem>>
      %dma_start3A_278 = tpu.memref_squeeze %dma_start3A_277 : memref<1x128xi32, #tpu.memory_space<vmem>> -> memref<128xi32, #tpu.memory_space<vmem>>
      %dma_start3A_279 = arith.constant 0 : i32
      %dma_start3A_280 = arith.constant 0 : i32
      %dma_start3A_281 = tpu.memref_slice %arg3[%dma_start3A_279, %dma_start3A_280] : memref<1000000x128xf32, #tpu.memory_space<hbm>> -> memref<1000000x128xf32, #tpu.memory_space<hbm>>
      %dma_start3A_282 = tpu.memref_slice %arg7[%dma_start3A_271] : memref<5x!tpu.dma_semaphore, #tpu.memory_space<semaphore_mem>> -> memref<1x!tpu.dma_semaphore, #tpu.memory_space<semaphore_mem>>
      %dma_start3A_283 = tpu.memref_squeeze %dma_start3A_282 : memref<1x!tpu.dma_semaphore, #tpu.memory_space<semaphore_mem>> -> memref<!tpu.dma_semaphore, #tpu.memory_space<semaphore_mem>>
      tpu.enqueue_indirect_dma source(%dma_start3A_281 : memref<1000000x128xf32, #tpu.memory_space<hbm>>) target(%dma_start3A_275 : memref<128x128xf32, #tpu.memory_space<vmem>>) offsets(%dma_start3A_278 : memref<128xi32, #tpu.memory_space<vmem>>) semaphore(%dma_start3A_283 : memref<!tpu.dma_semaphore, #tpu.memory_space<semaphore_mem>>)
      %mul3A_284 = arith.constant 5 : i32
      %mul3A_285 = arith.muli %scan3A_169, %mul3A_284 : i32
      %add3A_286 = arith.constant 3 : i32
      %add3A_287 = arith.addi %mul3A_285, %add3A_286 : i32
      %dma_wait3A_288 = arith.constant 3 : i32
      %dma_wait3A_289 = arith.constant 3 : i32
      %dma_wait3A_290 = arith.constant 0 : i32
      %dma_wait3A_291 = arith.constant 0 : i32
      %dma_wait3A_292 = tpu.memref_slice %arg6[%dma_wait3A_288, %dma_wait3A_290, %dma_wait3A_291] : memref<5x128x128xf32, #tpu.memory_space<vmem>> -> memref<1x128x128xf32, #tpu.memory_space<vmem>>
      %dma_wait3A_293 = tpu.memref_squeeze %dma_wait3A_292 : memref<1x128x128xf32, #tpu.memory_space<vmem>> -> memref<128x128xf32, #tpu.memory_space<vmem>>
      %dma_wait3A_294 = arith.constant 0 : i32
      %dma_wait3A_295 = tpu.memref_slice %arg5[%add3A_287, %dma_wait3A_294] : memref<200x128xi32, #tpu.memory_space<vmem>> -> memref<1x128xi32, #tpu.memory_space<vmem>>
      %dma_wait3A_296 = tpu.memref_squeeze %dma_wait3A_295 : memref<1x128xi32, #tpu.memory_space<vmem>> -> memref<128xi32, #tpu.memory_space<vmem>>
      %dma_wait3A_297 = arith.constant 0 : i32
      %dma_wait3A_298 = arith.constant 0 : i32
      %dma_wait3A_299 = tpu.memref_slice %arg3[%dma_wait3A_297, %dma_wait3A_298] : memref<1000000x128xf32, #tpu.memory_space<hbm>> -> memref<1000000x128xf32, #tpu.memory_space<hbm>>
      %dma_wait3A_300 = tpu.memref_slice %arg7[%dma_wait3A_289] : memref<5x!tpu.dma_semaphore, #tpu.memory_space<semaphore_mem>> -> memref<1x!tpu.dma_semaphore, #tpu.memory_space<semaphore_mem>>
      %dma_wait3A_301 = tpu.memref_squeeze %dma_wait3A_300 : memref<1x!tpu.dma_semaphore, #tpu.memory_space<semaphore_mem>> -> memref<!tpu.dma_semaphore, #tpu.memory_space<semaphore_mem>>
      tpu.wait_indirect_dma semaphore(%dma_wait3A_301 : memref<!tpu.dma_semaphore, #tpu.memory_space<semaphore_mem>>) src(%dma_wait3A_299 : memref<1000000x128xf32, #tpu.memory_space<hbm>>) dst(%dma_wait3A_293 : memref<128x128xf32, #tpu.memory_space<vmem>>)
      %mul3A_302 = arith.constant 128 : i32
      %mul3A_303 = arith.muli %add3A_287, %mul3A_302 : i32
      %add3A_304 = arith.addi %mul3A_2, %mul3A_303 : i32
      %run_scoped3A_305 = arith.constant 3 : i32
      "tpu.region"() ({
        %run_scoped3A_360 = tpu.sem_alloc : memref<!tpu.dma_semaphore, #tpu.memory_space<semaphore_mem>>
        %dma_start3A_361 = arith.constant 0 : i32
        %dma_start3A_362 = arith.constant 0 : i32
        %dma_start3A_363 = tpu.memref_slice %arg6[%run_scoped3A_305, %dma_start3A_361, %dma_start3A_362] : memref<5x128x128xf32, #tpu.memory_space<vmem>> -> memref<1x128x128xf32, #tpu.memory_space<vmem>>
        %dma_start3A_364 = tpu.memref_squeeze %dma_start3A_363 : memref<1x128x128xf32, #tpu.memory_space<vmem>> -> memref<128x128xf32, #tpu.memory_space<vmem>>
        %dma_start3A_365 = arith.constant 0 : i32
        %dma_start3A_366 = arith.constant 0 : i32
        %dma_start3A_367 = tpu.memref_slice %dma_start3A_364[%dma_start3A_365, %dma_start3A_366] : memref<128x128xf32, #tpu.memory_space<vmem>> -> memref<128x64xf32, #tpu.memory_space<vmem>>
        %dma_start3A_368 = arith.constant 0 : i32
        %dma_start3A_369 = tpu.memref_slice %arg4[%add3A_304, %dma_start3A_368] : memref<819200x64xf32, #tpu.memory_space<hbm>> -> memref<128x64xf32, #tpu.memory_space<hbm>>
        %dma_start3A_370 = arith.constant 0 : i32
        %dma_start3A_371 = tpu.memref_slice %arg4[%add3A_304, %dma_start3A_370] : memref<819200x64xf32, #tpu.memory_space<hbm>> -> memref<128x64xf32, #tpu.memory_space<hbm>>
        %dma_start3A_372 = arith.constant 0 : i32
        %dma_start3A_373 = arith.constant 0 : i32
        %dma_start3A_374 = tpu.memref_slice %arg6[%run_scoped3A_305, %dma_start3A_372, %dma_start3A_373] : memref<5x128x128xf32, #tpu.memory_space<vmem>> -> memref<1x128x128xf32, #tpu.memory_space<vmem>>
        %dma_start3A_375 = tpu.memref_squeeze %dma_start3A_374 : memref<1x128x128xf32, #tpu.memory_space<vmem>> -> memref<128x128xf32, #tpu.memory_space<vmem>>
        %dma_start3A_376 = arith.constant 0 : i32
        %dma_start3A_377 = arith.constant 0 : i32
        %dma_start3A_378 = tpu.memref_slice %dma_start3A_375[%dma_start3A_376, %dma_start3A_377] : memref<128x128xf32, #tpu.memory_space<vmem>> -> memref<128x64xf32, #tpu.memory_space<vmem>>
        tpu.enqueue_dma source(%dma_start3A_378 : memref<128x64xf32, #tpu.memory_space<vmem>>) target(%dma_start3A_371 : memref<128x64xf32, #tpu.memory_space<hbm>>) target_semaphore(%run_scoped3A_360 : memref<!tpu.dma_semaphore, #tpu.memory_space<semaphore_mem>>)
        %dma_wait3A_379 = arith.constant 0 : i32
        %dma_wait3A_380 = arith.constant 0 : i32
        %dma_wait3A_381 = tpu.memref_slice %arg6[%run_scoped3A_305, %dma_wait3A_379, %dma_wait3A_380] : memref<5x128x128xf32, #tpu.memory_space<vmem>> -> memref<1x128x128xf32, #tpu.memory_space<vmem>>
        %dma_wait3A_382 = tpu.memref_squeeze %dma_wait3A_381 : memref<1x128x128xf32, #tpu.memory_space<vmem>> -> memref<128x128xf32, #tpu.memory_space<vmem>>
        %dma_wait3A_383 = arith.constant 0 : i32
        %dma_wait3A_384 = arith.constant 0 : i32
        %dma_wait3A_385 = tpu.memref_slice %dma_wait3A_382[%dma_wait3A_383, %dma_wait3A_384] : memref<128x128xf32, #tpu.memory_space<vmem>> -> memref<128x64xf32, #tpu.memory_space<vmem>>
        %dma_wait3A_386 = arith.constant 0 : i32
        %dma_wait3A_387 = tpu.memref_slice %arg4[%add3A_304, %dma_wait3A_386] : memref<819200x64xf32, #tpu.memory_space<hbm>> -> memref<128x64xf32, #tpu.memory_space<hbm>>
        %dma_wait3A_388 = arith.constant 0 : i32
        %dma_wait3A_389 = tpu.memref_slice %arg4[%add3A_304, %dma_wait3A_388] : memref<819200x64xf32, #tpu.memory_space<hbm>> -> memref<128x64xf32, #tpu.memory_space<hbm>>
        %dma_wait3A_390 = arith.constant 0 : i32
        %dma_wait3A_391 = arith.constant 0 : i32
        %dma_wait3A_392 = tpu.memref_slice %arg6[%run_scoped3A_305, %dma_wait3A_390, %dma_wait3A_391] : memref<5x128x128xf32, #tpu.memory_space<vmem>> -> memref<1x128x128xf32, #tpu.memory_space<vmem>>
        %dma_wait3A_393 = tpu.memref_squeeze %dma_wait3A_392 : memref<1x128x128xf32, #tpu.memory_space<vmem>> -> memref<128x128xf32, #tpu.memory_space<vmem>>
        %dma_wait3A_394 = arith.constant 0 : i32
        %dma_wait3A_395 = arith.constant 0 : i32
        %dma_wait3A_396 = tpu.memref_slice %dma_wait3A_393[%dma_wait3A_394, %dma_wait3A_395] : memref<128x128xf32, #tpu.memory_space<vmem>> -> memref<128x64xf32, #tpu.memory_space<vmem>>
        tpu.wait_dma2 semaphore(%run_scoped3A_360 : memref<!tpu.dma_semaphore, #tpu.memory_space<semaphore_mem>>) src(%dma_wait3A_396 : memref<128x64xf32, #tpu.memory_space<vmem>>) dst(%dma_wait3A_389 : memref<128x64xf32, #tpu.memory_space<hbm>>)
        tpu.yield
      }) : () -> ()
      %add3A_306 = arith.constant 5 : i32
      %add3A_307 = arith.addi %add3A_287, %add3A_306 : i32
      %dma_start3A_308 = arith.constant 3 : i32
      %dma_start3A_309 = arith.constant 3 : i32
      %dma_start3A_310 = arith.constant 0 : i32
      %dma_start3A_311 = arith.constant 0 : i32
      %dma_start3A_312 = tpu.memref_slice %arg6[%dma_start3A_308, %dma_start3A_310, %dma_start3A_311] : memref<5x128x128xf32, #tpu.memory_space<vmem>> -> memref<1x128x128xf32, #tpu.memory_space<vmem>>
      %dma_start3A_313 = tpu.memref_squeeze %dma_start3A_312 : memref<1x128x128xf32, #tpu.memory_space<vmem>> -> memref<128x128xf32, #tpu.memory_space<vmem>>
      %dma_start3A_314 = arith.constant 0 : i32
      %dma_start3A_315 = tpu.memref_slice %arg5[%add3A_307, %dma_start3A_314] : memref<200x128xi32, #tpu.memory_space<vmem>> -> memref<1x128xi32, #tpu.memory_space<vmem>>
      %dma_start3A_316 = tpu.memref_squeeze %dma_start3A_315 : memref<1x128xi32, #tpu.memory_space<vmem>> -> memref<128xi32, #tpu.memory_space<vmem>>
      %dma_start3A_317 = arith.constant 0 : i32
      %dma_start3A_318 = arith.constant 0 : i32
      %dma_start3A_319 = tpu.memref_slice %arg3[%dma_start3A_317, %dma_start3A_318] : memref<1000000x128xf32, #tpu.memory_space<hbm>> -> memref<1000000x128xf32, #tpu.memory_space<hbm>>
      %dma_start3A_320 = tpu.memref_slice %arg7[%dma_start3A_309] : memref<5x!tpu.dma_semaphore, #tpu.memory_space<semaphore_mem>> -> memref<1x!tpu.dma_semaphore, #tpu.memory_space<semaphore_mem>>
      %dma_start3A_321 = tpu.memref_squeeze %dma_start3A_320 : memref<1x!tpu.dma_semaphore, #tpu.memory_space<semaphore_mem>> -> memref<!tpu.dma_semaphore, #tpu.memory_space<semaphore_mem>>
      tpu.enqueue_indirect_dma source(%dma_start3A_319 : memref<1000000x128xf32, #tpu.memory_space<hbm>>) target(%dma_start3A_313 : memref<128x128xf32, #tpu.memory_space<vmem>>) offsets(%dma_start3A_316 : memref<128xi32, #tpu.memory_space<vmem>>) semaphore(%dma_start3A_321 : memref<!tpu.dma_semaphore, #tpu.memory_space<semaphore_mem>>)
      %mul3A_322 = arith.constant 5 : i32
      %mul3A_323 = arith.muli %scan3A_169, %mul3A_322 : i32
      %add3A_324 = arith.constant 4 : i32
      %add3A_325 = arith.addi %mul3A_323, %add3A_324 : i32
      %dma_wait3A_326 = arith.constant 4 : i32
      %dma_wait3A_327 = arith.constant 4 : i32
      %dma_wait3A_328 = arith.constant 0 : i32
      %dma_wait3A_329 = arith.constant 0 : i32
      %dma_wait3A_330 = tpu.memref_slice %arg6[%dma_wait3A_326, %dma_wait3A_328, %dma_wait3A_329] : memref<5x128x128xf32, #tpu.memory_space<vmem>> -> memref<1x128x128xf32, #tpu.memory_space<vmem>>
      %dma_wait3A_331 = tpu.memref_squeeze %dma_wait3A_330 : memref<1x128x128xf32, #tpu.memory_space<vmem>> -> memref<128x128xf32, #tpu.memory_space<vmem>>
      %dma_wait3A_332 = arith.constant 0 : i32
      %dma_wait3A_333 = tpu.memref_slice %arg5[%add3A_325, %dma_wait3A_332] : memref<200x128xi32, #tpu.memory_space<vmem>> -> memref<1x128xi32, #tpu.memory_space<vmem>>
      %dma_wait3A_334 = tpu.memref_squeeze %dma_wait3A_333 : memref<1x128xi32, #tpu.memory_space<vmem>> -> memref<128xi32, #tpu.memory_space<vmem>>
      %dma_wait3A_335 = arith.constant 0 : i32
      %dma_wait3A_336 = arith.constant 0 : i32
      %dma_wait3A_337 = tpu.memref_slice %arg3[%dma_wait3A_335, %dma_wait3A_336] : memref<1000000x128xf32, #tpu.memory_space<hbm>> -> memref<1000000x128xf32, #tpu.memory_space<hbm>>
      %dma_wait3A_338 = tpu.memref_slice %arg7[%dma_wait3A_327] : memref<5x!tpu.dma_semaphore, #tpu.memory_space<semaphore_mem>> -> memref<1x!tpu.dma_semaphore, #tpu.memory_space<semaphore_mem>>
      %dma_wait3A_339 = tpu.memref_squeeze %dma_wait3A_338 : memref<1x!tpu.dma_semaphore, #tpu.memory_space<semaphore_mem>> -> memref<!tpu.dma_semaphore, #tpu.memory_space<semaphore_mem>>
      tpu.wait_indirect_dma semaphore(%dma_wait3A_339 : memref<!tpu.dma_semaphore, #tpu.memory_space<semaphore_mem>>) src(%dma_wait3A_337 : memref<1000000x128xf32, #tpu.memory_space<hbm>>) dst(%dma_wait3A_331 : memref<128x128xf32, #tpu.memory_space<vmem>>)
      %mul3A_340 = arith.constant 128 : i32
      %mul3A_341 = arith.muli %add3A_325, %mul3A_340 : i32
      %add3A_342 = arith.addi %mul3A_2, %mul3A_341 : i32
      %run_scoped3A_343 = arith.constant 4 : i32
      "tpu.region"() ({
        %run_scoped3A_360 = tpu.sem_alloc : memref<!tpu.dma_semaphore, #tpu.memory_space<semaphore_mem>>
        %dma_start3A_361 = arith.constant 0 : i32
        %dma_start3A_362 = arith.constant 0 : i32
        %dma_start3A_363 = tpu.memref_slice %arg6[%run_scoped3A_343, %dma_start3A_361, %dma_start3A_362] : memref<5x128x128xf32, #tpu.memory_space<vmem>> -> memref<1x128x128xf32, #tpu.memory_space<vmem>>
        %dma_start3A_364 = tpu.memref_squeeze %dma_start3A_363 : memref<1x128x128xf32, #tpu.memory_space<vmem>> -> memref<128x128xf32, #tpu.memory_space<vmem>>
        %dma_start3A_365 = arith.constant 0 : i32
        %dma_start3A_366 = arith.constant 0 : i32
        %dma_start3A_367 = tpu.memref_slice %dma_start3A_364[%dma_start3A_365, %dma_start3A_366] : memref<128x128xf32, #tpu.memory_space<vmem>> -> memref<128x64xf32, #tpu.memory_space<vmem>>
        %dma_start3A_368 = arith.constant 0 : i32
        %dma_start3A_369 = tpu.memref_slice %arg4[%add3A_342, %dma_start3A_368] : memref<819200x64xf32, #tpu.memory_space<hbm>> -> memref<128x64xf32, #tpu.memory_space<hbm>>
        %dma_start3A_370 = arith.constant 0 : i32
        %dma_start3A_371 = tpu.memref_slice %arg4[%add3A_342, %dma_start3A_370] : memref<819200x64xf32, #tpu.memory_space<hbm>> -> memref<128x64xf32, #tpu.memory_space<hbm>>
        %dma_start3A_372 = arith.constant 0 : i32
        %dma_start3A_373 = arith.constant 0 : i32
        %dma_start3A_374 = tpu.memref_slice %arg6[%run_scoped3A_343, %dma_start3A_372, %dma_start3A_373] : memref<5x128x128xf32, #tpu.memory_space<vmem>> -> memref<1x128x128xf32, #tpu.memory_space<vmem>>
        %dma_start3A_375 = tpu.memref_squeeze %dma_start3A_374 : memref<1x128x128xf32, #tpu.memory_space<vmem>> -> memref<128x128xf32, #tpu.memory_space<vmem>>
        %dma_start3A_376 = arith.constant 0 : i32
        %dma_start3A_377 = arith.constant 0 : i32
        %dma_start3A_378 = tpu.memref_slice %dma_start3A_375[%dma_start3A_376, %dma_start3A_377] : memref<128x128xf32, #tpu.memory_space<vmem>> -> memref<128x64xf32, #tpu.memory_space<vmem>>
        tpu.enqueue_dma source(%dma_start3A_378 : memref<128x64xf32, #tpu.memory_space<vmem>>) target(%dma_start3A_371 : memref<128x64xf32, #tpu.memory_space<hbm>>) target_semaphore(%run_scoped3A_360 : memref<!tpu.dma_semaphore, #tpu.memory_space<semaphore_mem>>)
        %dma_wait3A_379 = arith.constant 0 : i32
        %dma_wait3A_380 = arith.constant 0 : i32
        %dma_wait3A_381 = tpu.memref_slice %arg6[%run_scoped3A_343, %dma_wait3A_379, %dma_wait3A_380] : memref<5x128x128xf32, #tpu.memory_space<vmem>> -> memref<1x128x128xf32, #tpu.memory_space<vmem>>
        %dma_wait3A_382 = tpu.memref_squeeze %dma_wait3A_381 : memref<1x128x128xf32, #tpu.memory_space<vmem>> -> memref<128x128xf32, #tpu.memory_space<vmem>>
        %dma_wait3A_383 = arith.constant 0 : i32
        %dma_wait3A_384 = arith.constant 0 : i32
        %dma_wait3A_385 = tpu.memref_slice %dma_wait3A_382[%dma_wait3A_383, %dma_wait3A_384] : memref<128x128xf32, #tpu.memory_space<vmem>> -> memref<128x64xf32, #tpu.memory_space<vmem>>
        %dma_wait3A_386 = arith.constant 0 : i32
        %dma_wait3A_387 = tpu.memref_slice %arg4[%add3A_342, %dma_wait3A_386] : memref<819200x64xf32, #tpu.memory_space<hbm>> -> memref<128x64xf32, #tpu.memory_space<hbm>>
        %dma_wait3A_388 = arith.constant 0 : i32
        %dma_wait3A_389 = tpu.memref_slice %arg4[%add3A_342, %dma_wait3A_388] : memref<819200x64xf32, #tpu.memory_space<hbm>> -> memref<128x64xf32, #tpu.memory_space<hbm>>
        %dma_wait3A_390 = arith.constant 0 : i32
        %dma_wait3A_391 = arith.constant 0 : i32
        %dma_wait3A_392 = tpu.memref_slice %arg6[%run_scoped3A_343, %dma_wait3A_390, %dma_wait3A_391] : memref<5x128x128xf32, #tpu.memory_space<vmem>> -> memref<1x128x128xf32, #tpu.memory_space<vmem>>
        %dma_wait3A_393 = tpu.memref_squeeze %dma_wait3A_392 : memref<1x128x128xf32, #tpu.memory_space<vmem>> -> memref<128x128xf32, #tpu.memory_space<vmem>>
        %dma_wait3A_394 = arith.constant 0 : i32
        %dma_wait3A_395 = arith.constant 0 : i32
        %dma_wait3A_396 = tpu.memref_slice %dma_wait3A_393[%dma_wait3A_394, %dma_wait3A_395] : memref<128x128xf32, #tpu.memory_space<vmem>> -> memref<128x64xf32, #tpu.memory_space<vmem>>
        tpu.wait_dma2 semaphore(%run_scoped3A_360 : memref<!tpu.dma_semaphore, #tpu.memory_space<semaphore_mem>>) src(%dma_wait3A_396 : memref<128x64xf32, #tpu.memory_space<vmem>>) dst(%dma_wait3A_389 : memref<128x64xf32, #tpu.memory_space<hbm>>)
        tpu.yield
      }) : () -> ()
      %add3A_344 = arith.constant 5 : i32
      %add3A_345 = arith.addi %add3A_325, %add3A_344 : i32
      %dma_start3A_346 = arith.constant 4 : i32
      %dma_start3A_347 = arith.constant 4 : i32
      %dma_start3A_348 = arith.constant 0 : i32
      %dma_start3A_349 = arith.constant 0 : i32
      %dma_start3A_350 = tpu.memref_slice %arg6[%dma_start3A_346, %dma_start3A_348, %dma_start3A_349] : memref<5x128x128xf32, #tpu.memory_space<vmem>> -> memref<1x128x128xf32, #tpu.memory_space<vmem>>
      %dma_start3A_351 = tpu.memref_squeeze %dma_start3A_350 : memref<1x128x128xf32, #tpu.memory_space<vmem>> -> memref<128x128xf32, #tpu.memory_space<vmem>>
      %dma_start3A_352 = arith.constant 0 : i32
      %dma_start3A_353 = tpu.memref_slice %arg5[%add3A_345, %dma_start3A_352] : memref<200x128xi32, #tpu.memory_space<vmem>> -> memref<1x128xi32, #tpu.memory_space<vmem>>
      %dma_start3A_354 = tpu.memref_squeeze %dma_start3A_353 : memref<1x128xi32, #tpu.memory_space<vmem>> -> memref<128xi32, #tpu.memory_space<vmem>>
      %dma_start3A_355 = arith.constant 0 : i32
      %dma_start3A_356 = arith.constant 0 : i32
      %dma_start3A_357 = tpu.memref_slice %arg3[%dma_start3A_355, %dma_start3A_356] : memref<1000000x128xf32, #tpu.memory_space<hbm>> -> memref<1000000x128xf32, #tpu.memory_space<hbm>>
      %dma_start3A_358 = tpu.memref_slice %arg7[%dma_start3A_347] : memref<5x!tpu.dma_semaphore, #tpu.memory_space<semaphore_mem>> -> memref<1x!tpu.dma_semaphore, #tpu.memory_space<semaphore_mem>>
      %dma_start3A_359 = tpu.memref_squeeze %dma_start3A_358 : memref<1x!tpu.dma_semaphore, #tpu.memory_space<semaphore_mem>> -> memref<!tpu.dma_semaphore, #tpu.memory_space<semaphore_mem>>
      tpu.enqueue_indirect_dma source(%dma_start3A_357 : memref<1000000x128xf32, #tpu.memory_space<hbm>>) target(%dma_start3A_351 : memref<128x128xf32, #tpu.memory_space<vmem>>) offsets(%dma_start3A_354 : memref<128xi32, #tpu.memory_space<vmem>>) semaphore(%dma_start3A_359 : memref<!tpu.dma_semaphore, #tpu.memory_space<semaphore_mem>>)
    }
    %scan3A_80 = arith.constant 39 : i32
    %dma_wait3A = arith.constant 195 : i32
    %dma_wait3A_81 = arith.constant 0 : i32
    %dma_wait3A_82 = arith.constant 0 : i32
    %dma_wait3A_83 = arith.constant 0 : i32
    %dma_wait3A_84 = arith.constant 0 : i32
    %dma_wait3A_85 = tpu.memref_slice %arg6[%dma_wait3A_81, %dma_wait3A_83, %dma_wait3A_84] : memref<5x128x128xf32, #tpu.memory_space<vmem>> -> memref<1x128x128xf32, #tpu.memory_space<vmem>>
    %dma_wait3A_86 = tpu.memref_squeeze %dma_wait3A_85 : memref<1x128x128xf32, #tpu.memory_space<vmem>> -> memref<128x128xf32, #tpu.memory_space<vmem>>
    %dma_wait3A_87 = arith.constant 0 : i32
    %dma_wait3A_88 = tpu.memref_slice %arg5[%dma_wait3A, %dma_wait3A_87] : memref<200x128xi32, #tpu.memory_space<vmem>> -> memref<1x128xi32, #tpu.memory_space<vmem>>
    %dma_wait3A_89 = tpu.memref_squeeze %dma_wait3A_88 : memref<1x128xi32, #tpu.memory_space<vmem>> -> memref<128xi32, #tpu.memory_space<vmem>>
    %dma_wait3A_90 = arith.constant 0 : i32
    %dma_wait3A_91 = arith.constant 0 : i32
    %dma_wait3A_92 = tpu.memref_slice %arg3[%dma_wait3A_90, %dma_wait3A_91] : memref<1000000x128xf32, #tpu.memory_space<hbm>> -> memref<1000000x128xf32, #tpu.memory_space<hbm>>
    %dma_wait3A_93 = tpu.memref_slice %arg7[%dma_wait3A_82] : memref<5x!tpu.dma_semaphore, #tpu.memory_space<semaphore_mem>> -> memref<1x!tpu.dma_semaphore, #tpu.memory_space<semaphore_mem>>
    %dma_wait3A_94 = tpu.memref_squeeze %dma_wait3A_93 : memref<1x!tpu.dma_semaphore, #tpu.memory_space<semaphore_mem>> -> memref<!tpu.dma_semaphore, #tpu.memory_space<semaphore_mem>>
    tpu.wait_indirect_dma semaphore(%dma_wait3A_94 : memref<!tpu.dma_semaphore, #tpu.memory_space<semaphore_mem>>) src(%dma_wait3A_92 : memref<1000000x128xf32, #tpu.memory_space<hbm>>) dst(%dma_wait3A_86 : memref<128x128xf32, #tpu.memory_space<vmem>>)
    %add3A_95 = arith.constant 24960 : i32
    %add3A_96 = arith.addi %mul3A_2, %add3A_95 : i32
    %run_scoped3A = arith.constant 0 : i32
    "tpu.region"() ({
      %run_scoped3A_169 = tpu.sem_alloc : memref<!tpu.dma_semaphore, #tpu.memory_space<semaphore_mem>>
      %dma_start3A_170 = arith.constant 0 : i32
      %dma_start3A_171 = arith.constant 0 : i32
      %dma_start3A_172 = tpu.memref_slice %arg6[%run_scoped3A, %dma_start3A_170, %dma_start3A_171] : memref<5x128x128xf32, #tpu.memory_space<vmem>> -> memref<1x128x128xf32, #tpu.memory_space<vmem>>
      %dma_start3A_173 = tpu.memref_squeeze %dma_start3A_172 : memref<1x128x128xf32, #tpu.memory_space<vmem>> -> memref<128x128xf32, #tpu.memory_space<vmem>>
      %dma_start3A_174 = arith.constant 0 : i32
      %dma_start3A_175 = arith.constant 0 : i32
      %dma_start3A_176 = tpu.memref_slice %dma_start3A_173[%dma_start3A_174, %dma_start3A_175] : memref<128x128xf32, #tpu.memory_space<vmem>> -> memref<128x64xf32, #tpu.memory_space<vmem>>
      %dma_start3A_177 = arith.constant 0 : i32
      %dma_start3A_178 = tpu.memref_slice %arg4[%add3A_96, %dma_start3A_177] : memref<819200x64xf32, #tpu.memory_space<hbm>> -> memref<128x64xf32, #tpu.memory_space<hbm>>
      %dma_start3A_179 = arith.constant 0 : i32
      %dma_start3A_180 = tpu.memref_slice %arg4[%add3A_96, %dma_start3A_179] : memref<819200x64xf32, #tpu.memory_space<hbm>> -> memref<128x64xf32, #tpu.memory_space<hbm>>
      %dma_start3A_181 = arith.constant 0 : i32
      %dma_start3A_182 = arith.constant 0 : i32
      %dma_start3A_183 = tpu.memref_slice %arg6[%run_scoped3A, %dma_start3A_181, %dma_start3A_182] : memref<5x128x128xf32, #tpu.memory_space<vmem>> -> memref<1x128x128xf32, #tpu.memory_space<vmem>>
      %dma_start3A_184 = tpu.memref_squeeze %dma_start3A_183 : memref<1x128x128xf32, #tpu.memory_space<vmem>> -> memref<128x128xf32, #tpu.memory_space<vmem>>
      %dma_start3A_185 = arith.constant 0 : i32
      %dma_start3A_186 = arith.constant 0 : i32
      %dma_start3A_187 = tpu.memref_slice %dma_start3A_184[%dma_start3A_185, %dma_start3A_186] : memref<128x128xf32, #tpu.memory_space<vmem>> -> memref<128x64xf32, #tpu.memory_space<vmem>>
      tpu.enqueue_dma source(%dma_start3A_187 : memref<128x64xf32, #tpu.memory_space<vmem>>) target(%dma_start3A_180 : memref<128x64xf32, #tpu.memory_space<hbm>>) target_semaphore(%run_scoped3A_169 : memref<!tpu.dma_semaphore, #tpu.memory_space<semaphore_mem>>)
      %dma_wait3A_188 = arith.constant 0 : i32
      %dma_wait3A_189 = arith.constant 0 : i32
      %dma_wait3A_190 = tpu.memref_slice %arg6[%run_scoped3A, %dma_wait3A_188, %dma_wait3A_189] : memref<5x128x128xf32, #tpu.memory_space<vmem>> -> memref<1x128x128xf32, #tpu.memory_space<vmem>>
      %dma_wait3A_191 = tpu.memref_squeeze %dma_wait3A_190 : memref<1x128x128xf32, #tpu.memory_space<vmem>> -> memref<128x128xf32, #tpu.memory_space<vmem>>
      %dma_wait3A_192 = arith.constant 0 : i32
      %dma_wait3A_193 = arith.constant 0 : i32
      %dma_wait3A_194 = tpu.memref_slice %dma_wait3A_191[%dma_wait3A_192, %dma_wait3A_193] : memref<128x128xf32, #tpu.memory_space<vmem>> -> memref<128x64xf32, #tpu.memory_space<vmem>>
      %dma_wait3A_195 = arith.constant 0 : i32
      %dma_wait3A_196 = tpu.memref_slice %arg4[%add3A_96, %dma_wait3A_195] : memref<819200x64xf32, #tpu.memory_space<hbm>> -> memref<128x64xf32, #tpu.memory_space<hbm>>
      %dma_wait3A_197 = arith.constant 0 : i32
      %dma_wait3A_198 = tpu.memref_slice %arg4[%add3A_96, %dma_wait3A_197] : memref<819200x64xf32, #tpu.memory_space<hbm>> -> memref<128x64xf32, #tpu.memory_space<hbm>>
      %dma_wait3A_199 = arith.constant 0 : i32
      %dma_wait3A_200 = arith.constant 0 : i32
      %dma_wait3A_201 = tpu.memref_slice %arg6[%run_scoped3A, %dma_wait3A_199, %dma_wait3A_200] : memref<5x128x128xf32, #tpu.memory_space<vmem>> -> memref<1x128x128xf32, #tpu.memory_space<vmem>>
      %dma_wait3A_202 = tpu.memref_squeeze %dma_wait3A_201 : memref<1x128x128xf32, #tpu.memory_space<vmem>> -> memref<128x128xf32, #tpu.memory_space<vmem>>
      %dma_wait3A_203 = arith.constant 0 : i32
      %dma_wait3A_204 = arith.constant 0 : i32
      %dma_wait3A_205 = tpu.memref_slice %dma_wait3A_202[%dma_wait3A_203, %dma_wait3A_204] : memref<128x128xf32, #tpu.memory_space<vmem>> -> memref<128x64xf32, #tpu.memory_space<vmem>>
      tpu.wait_dma2 semaphore(%run_scoped3A_169 : memref<!tpu.dma_semaphore, #tpu.memory_space<semaphore_mem>>) src(%dma_wait3A_205 : memref<128x64xf32, #tpu.memory_space<vmem>>) dst(%dma_wait3A_198 : memref<128x64xf32, #tpu.memory_space<hbm>>)
      tpu.yield
    }) : () -> ()
    %dma_wait3A_97 = arith.constant 196 : i32
    %dma_wait3A_98 = arith.constant 1 : i32
    %dma_wait3A_99 = arith.constant 1 : i32
    %dma_wait3A_100 = arith.constant 0 : i32
    %dma_wait3A_101 = arith.constant 0 : i32
    %dma_wait3A_102 = tpu.memref_slice %arg6[%dma_wait3A_98, %dma_wait3A_100, %dma_wait3A_101] : memref<5x128x128xf32, #tpu.memory_space<vmem>> -> memref<1x128x128xf32, #tpu.memory_space<vmem>>
    %dma_wait3A_103 = tpu.memref_squeeze %dma_wait3A_102 : memref<1x128x128xf32, #tpu.memory_space<vmem>> -> memref<128x128xf32, #tpu.memory_space<vmem>>
    %dma_wait3A_104 = arith.constant 0 : i32
    %dma_wait3A_105 = tpu.memref_slice %arg5[%dma_wait3A_97, %dma_wait3A_104] : memref<200x128xi32, #tpu.memory_space<vmem>> -> memref<1x128xi32, #tpu.memory_space<vmem>>
    %dma_wait3A_106 = tpu.memref_squeeze %dma_wait3A_105 : memref<1x128xi32, #tpu.memory_space<vmem>> -> memref<128xi32, #tpu.memory_space<vmem>>
    %dma_wait3A_107 = arith.constant 0 : i32
    %dma_wait3A_108 = arith.constant 0 : i32
    %dma_wait3A_109 = tpu.memref_slice %arg3[%dma_wait3A_107, %dma_wait3A_108] : memref<1000000x128xf32, #tpu.memory_space<hbm>> -> memref<1000000x128xf32, #tpu.memory_space<hbm>>
    %dma_wait3A_110 = tpu.memref_slice %arg7[%dma_wait3A_99] : memref<5x!tpu.dma_semaphore, #tpu.memory_space<semaphore_mem>> -> memref<1x!tpu.dma_semaphore, #tpu.memory_space<semaphore_mem>>
    %dma_wait3A_111 = tpu.memref_squeeze %dma_wait3A_110 : memref<1x!tpu.dma_semaphore, #tpu.memory_space<semaphore_mem>> -> memref<!tpu.dma_semaphore, #tpu.memory_space<semaphore_mem>>
    tpu.wait_indirect_dma semaphore(%dma_wait3A_111 : memref<!tpu.dma_semaphore, #tpu.memory_space<semaphore_mem>>) src(%dma_wait3A_109 : memref<1000000x128xf32, #tpu.memory_space<hbm>>) dst(%dma_wait3A_103 : memref<128x128xf32, #tpu.memory_space<vmem>>)
    %add3A_112 = arith.constant 25088 : i32
    %add3A_113 = arith.addi %mul3A_2, %add3A_112 : i32
    %run_scoped3A_114 = arith.constant 1 : i32
    "tpu.region"() ({
      %run_scoped3A_169 = tpu.sem_alloc : memref<!tpu.dma_semaphore, #tpu.memory_space<semaphore_mem>>
      %dma_start3A_170 = arith.constant 0 : i32
      %dma_start3A_171 = arith.constant 0 : i32
      %dma_start3A_172 = tpu.memref_slice %arg6[%run_scoped3A_114, %dma_start3A_170, %dma_start3A_171] : memref<5x128x128xf32, #tpu.memory_space<vmem>> -> memref<1x128x128xf32, #tpu.memory_space<vmem>>
      %dma_start3A_173 = tpu.memref_squeeze %dma_start3A_172 : memref<1x128x128xf32, #tpu.memory_space<vmem>> -> memref<128x128xf32, #tpu.memory_space<vmem>>
      %dma_start3A_174 = arith.constant 0 : i32
      %dma_start3A_175 = arith.constant 0 : i32
      %dma_start3A_176 = tpu.memref_slice %dma_start3A_173[%dma_start3A_174, %dma_start3A_175] : memref<128x128xf32, #tpu.memory_space<vmem>> -> memref<128x64xf32, #tpu.memory_space<vmem>>
      %dma_start3A_177 = arith.constant 0 : i32
      %dma_start3A_178 = tpu.memref_slice %arg4[%add3A_113, %dma_start3A_177] : memref<819200x64xf32, #tpu.memory_space<hbm>> -> memref<128x64xf32, #tpu.memory_space<hbm>>
      %dma_start3A_179 = arith.constant 0 : i32
      %dma_start3A_180 = tpu.memref_slice %arg4[%add3A_113, %dma_start3A_179] : memref<819200x64xf32, #tpu.memory_space<hbm>> -> memref<128x64xf32, #tpu.memory_space<hbm>>
      %dma_start3A_181 = arith.constant 0 : i32
      %dma_start3A_182 = arith.constant 0 : i32
      %dma_start3A_183 = tpu.memref_slice %arg6[%run_scoped3A_114, %dma_start3A_181, %dma_start3A_182] : memref<5x128x128xf32, #tpu.memory_space<vmem>> -> memref<1x128x128xf32, #tpu.memory_space<vmem>>
      %dma_start3A_184 = tpu.memref_squeeze %dma_start3A_183 : memref<1x128x128xf32, #tpu.memory_space<vmem>> -> memref<128x128xf32, #tpu.memory_space<vmem>>
      %dma_start3A_185 = arith.constant 0 : i32
      %dma_start3A_186 = arith.constant 0 : i32
      %dma_start3A_187 = tpu.memref_slice %dma_start3A_184[%dma_start3A_185, %dma_start3A_186] : memref<128x128xf32, #tpu.memory_space<vmem>> -> memref<128x64xf32, #tpu.memory_space<vmem>>
      tpu.enqueue_dma source(%dma_start3A_187 : memref<128x64xf32, #tpu.memory_space<vmem>>) target(%dma_start3A_180 : memref<128x64xf32, #tpu.memory_space<hbm>>) target_semaphore(%run_scoped3A_169 : memref<!tpu.dma_semaphore, #tpu.memory_space<semaphore_mem>>)
      %dma_wait3A_188 = arith.constant 0 : i32
      %dma_wait3A_189 = arith.constant 0 : i32
      %dma_wait3A_190 = tpu.memref_slice %arg6[%run_scoped3A_114, %dma_wait3A_188, %dma_wait3A_189] : memref<5x128x128xf32, #tpu.memory_space<vmem>> -> memref<1x128x128xf32, #tpu.memory_space<vmem>>
      %dma_wait3A_191 = tpu.memref_squeeze %dma_wait3A_190 : memref<1x128x128xf32, #tpu.memory_space<vmem>> -> memref<128x128xf32, #tpu.memory_space<vmem>>
      %dma_wait3A_192 = arith.constant 0 : i32
      %dma_wait3A_193 = arith.constant 0 : i32
      %dma_wait3A_194 = tpu.memref_slice %dma_wait3A_191[%dma_wait3A_192, %dma_wait3A_193] : memref<128x128xf32, #tpu.memory_space<vmem>> -> memref<128x64xf32, #tpu.memory_space<vmem>>
      %dma_wait3A_195 = arith.constant 0 : i32
      %dma_wait3A_196 = tpu.memref_slice %arg4[%add3A_113, %dma_wait3A_195] : memref<819200x64xf32, #tpu.memory_space<hbm>> -> memref<128x64xf32, #tpu.memory_space<hbm>>
      %dma_wait3A_197 = arith.constant 0 : i32
      %dma_wait3A_198 = tpu.memref_slice %arg4[%add3A_113, %dma_wait3A_197] : memref<819200x64xf32, #tpu.memory_space<hbm>> -> memref<128x64xf32, #tpu.memory_space<hbm>>
      %dma_wait3A_199 = arith.constant 0 : i32
      %dma_wait3A_200 = arith.constant 0 : i32
      %dma_wait3A_201 = tpu.memref_slice %arg6[%run_scoped3A_114, %dma_wait3A_199, %dma_wait3A_200] : memref<5x128x128xf32, #tpu.memory_space<vmem>> -> memref<1x128x128xf32, #tpu.memory_space<vmem>>
      %dma_wait3A_202 = tpu.memref_squeeze %dma_wait3A_201 : memref<1x128x128xf32, #tpu.memory_space<vmem>> -> memref<128x128xf32, #tpu.memory_space<vmem>>
      %dma_wait3A_203 = arith.constant 0 : i32
      %dma_wait3A_204 = arith.constant 0 : i32
      %dma_wait3A_205 = tpu.memref_slice %dma_wait3A_202[%dma_wait3A_203, %dma_wait3A_204] : memref<128x128xf32, #tpu.memory_space<vmem>> -> memref<128x64xf32, #tpu.memory_space<vmem>>
      tpu.wait_dma2 semaphore(%run_scoped3A_169 : memref<!tpu.dma_semaphore, #tpu.memory_space<semaphore_mem>>) src(%dma_wait3A_205 : memref<128x64xf32, #tpu.memory_space<vmem>>) dst(%dma_wait3A_198 : memref<128x64xf32, #tpu.memory_space<hbm>>)
      tpu.yield
    }) : () -> ()
    %dma_wait3A_115 = arith.constant 197 : i32
    %dma_wait3A_116 = arith.constant 2 : i32
    %dma_wait3A_117 = arith.constant 2 : i32
    %dma_wait3A_118 = arith.constant 0 : i32
    %dma_wait3A_119 = arith.constant 0 : i32
    %dma_wait3A_120 = tpu.memref_slice %arg6[%dma_wait3A_116, %dma_wait3A_118, %dma_wait3A_119] : memref<5x128x128xf32, #tpu.memory_space<vmem>> -> memref<1x128x128xf32, #tpu.memory_space<vmem>>
    %dma_wait3A_121 = tpu.memref_squeeze %dma_wait3A_120 : memref<1x128x128xf32, #tpu.memory_space<vmem>> -> memref<128x128xf32, #tpu.memory_space<vmem>>
    %dma_wait3A_122 = arith.constant 0 : i32
    %dma_wait3A_123 = tpu.memref_slice %arg5[%dma_wait3A_115, %dma_wait3A_122] : memref<200x128xi32, #tpu.memory_space<vmem>> -> memref<1x128xi32, #tpu.memory_space<vmem>>
    %dma_wait3A_124 = tpu.memref_squeeze %dma_wait3A_123 : memref<1x128xi32, #tpu.memory_space<vmem>> -> memref<128xi32, #tpu.memory_space<vmem>>
    %dma_wait3A_125 = arith.constant 0 : i32
    %dma_wait3A_126 = arith.constant 0 : i32
    %dma_wait3A_127 = tpu.memref_slice %arg3[%dma_wait3A_125, %dma_wait3A_126] : memref<1000000x128xf32, #tpu.memory_space<hbm>> -> memref<1000000x128xf32, #tpu.memory_space<hbm>>
    %dma_wait3A_128 = tpu.memref_slice %arg7[%dma_wait3A_117] : memref<5x!tpu.dma_semaphore, #tpu.memory_space<semaphore_mem>> -> memref<1x!tpu.dma_semaphore, #tpu.memory_space<semaphore_mem>>
    %dma_wait3A_129 = tpu.memref_squeeze %dma_wait3A_128 : memref<1x!tpu.dma_semaphore, #tpu.memory_space<semaphore_mem>> -> memref<!tpu.dma_semaphore, #tpu.memory_space<semaphore_mem>>
    tpu.wait_indirect_dma semaphore(%dma_wait3A_129 : memref<!tpu.dma_semaphore, #tpu.memory_space<semaphore_mem>>) src(%dma_wait3A_127 : memref<1000000x128xf32, #tpu.memory_space<hbm>>) dst(%dma_wait3A_121 : memref<128x128xf32, #tpu.memory_space<vmem>>)
    %add3A_130 = arith.constant 25216 : i32
    %add3A_131 = arith.addi %mul3A_2, %add3A_130 : i32
    %run_scoped3A_132 = arith.constant 2 : i32
    "tpu.region"() ({
      %run_scoped3A_169 = tpu.sem_alloc : memref<!tpu.dma_semaphore, #tpu.memory_space<semaphore_mem>>
      %dma_start3A_170 = arith.constant 0 : i32
      %dma_start3A_171 = arith.constant 0 : i32
      %dma_start3A_172 = tpu.memref_slice %arg6[%run_scoped3A_132, %dma_start3A_170, %dma_start3A_171] : memref<5x128x128xf32, #tpu.memory_space<vmem>> -> memref<1x128x128xf32, #tpu.memory_space<vmem>>
      %dma_start3A_173 = tpu.memref_squeeze %dma_start3A_172 : memref<1x128x128xf32, #tpu.memory_space<vmem>> -> memref<128x128xf32, #tpu.memory_space<vmem>>
      %dma_start3A_174 = arith.constant 0 : i32
      %dma_start3A_175 = arith.constant 0 : i32
      %dma_start3A_176 = tpu.memref_slice %dma_start3A_173[%dma_start3A_174, %dma_start3A_175] : memref<128x128xf32, #tpu.memory_space<vmem>> -> memref<128x64xf32, #tpu.memory_space<vmem>>
      %dma_start3A_177 = arith.constant 0 : i32
      %dma_start3A_178 = tpu.memref_slice %arg4[%add3A_131, %dma_start3A_177] : memref<819200x64xf32, #tpu.memory_space<hbm>> -> memref<128x64xf32, #tpu.memory_space<hbm>>
      %dma_start3A_179 = arith.constant 0 : i32
      %dma_start3A_180 = tpu.memref_slice %arg4[%add3A_131, %dma_start3A_179] : memref<819200x64xf32, #tpu.memory_space<hbm>> -> memref<128x64xf32, #tpu.memory_space<hbm>>
      %dma_start3A_181 = arith.constant 0 : i32
      %dma_start3A_182 = arith.constant 0 : i32
      %dma_start3A_183 = tpu.memref_slice %arg6[%run_scoped3A_132, %dma_start3A_181, %dma_start3A_182] : memref<5x128x128xf32, #tpu.memory_space<vmem>> -> memref<1x128x128xf32, #tpu.memory_space<vmem>>
      %dma_start3A_184 = tpu.memref_squeeze %dma_start3A_183 : memref<1x128x128xf32, #tpu.memory_space<vmem>> -> memref<128x128xf32, #tpu.memory_space<vmem>>
      %dma_start3A_185 = arith.constant 0 : i32
      %dma_start3A_186 = arith.constant 0 : i32
      %dma_start3A_187 = tpu.memref_slice %dma_start3A_184[%dma_start3A_185, %dma_start3A_186] : memref<128x128xf32, #tpu.memory_space<vmem>> -> memref<128x64xf32, #tpu.memory_space<vmem>>
      tpu.enqueue_dma source(%dma_start3A_187 : memref<128x64xf32, #tpu.memory_space<vmem>>) target(%dma_start3A_180 : memref<128x64xf32, #tpu.memory_space<hbm>>) target_semaphore(%run_scoped3A_169 : memref<!tpu.dma_semaphore, #tpu.memory_space<semaphore_mem>>)
      %dma_wait3A_188 = arith.constant 0 : i32
      %dma_wait3A_189 = arith.constant 0 : i32
      %dma_wait3A_190 = tpu.memref_slice %arg6[%run_scoped3A_132, %dma_wait3A_188, %dma_wait3A_189] : memref<5x128x128xf32, #tpu.memory_space<vmem>> -> memref<1x128x128xf32, #tpu.memory_space<vmem>>
      %dma_wait3A_191 = tpu.memref_squeeze %dma_wait3A_190 : memref<1x128x128xf32, #tpu.memory_space<vmem>> -> memref<128x128xf32, #tpu.memory_space<vmem>>
      %dma_wait3A_192 = arith.constant 0 : i32
      %dma_wait3A_193 = arith.constant 0 : i32
      %dma_wait3A_194 = tpu.memref_slice %dma_wait3A_191[%dma_wait3A_192, %dma_wait3A_193] : memref<128x128xf32, #tpu.memory_space<vmem>> -> memref<128x64xf32, #tpu.memory_space<vmem>>
      %dma_wait3A_195 = arith.constant 0 : i32
      %dma_wait3A_196 = tpu.memref_slice %arg4[%add3A_131, %dma_wait3A_195] : memref<819200x64xf32, #tpu.memory_space<hbm>> -> memref<128x64xf32, #tpu.memory_space<hbm>>
      %dma_wait3A_197 = arith.constant 0 : i32
      %dma_wait3A_198 = tpu.memref_slice %arg4[%add3A_131, %dma_wait3A_197] : memref<819200x64xf32, #tpu.memory_space<hbm>> -> memref<128x64xf32, #tpu.memory_space<hbm>>
      %dma_wait3A_199 = arith.constant 0 : i32
      %dma_wait3A_200 = arith.constant 0 : i32
      %dma_wait3A_201 = tpu.memref_slice %arg6[%run_scoped3A_132, %dma_wait3A_199, %dma_wait3A_200] : memref<5x128x128xf32, #tpu.memory_space<vmem>> -> memref<1x128x128xf32, #tpu.memory_space<vmem>>
      %dma_wait3A_202 = tpu.memref_squeeze %dma_wait3A_201 : memref<1x128x128xf32, #tpu.memory_space<vmem>> -> memref<128x128xf32, #tpu.memory_space<vmem>>
      %dma_wait3A_203 = arith.constant 0 : i32
      %dma_wait3A_204 = arith.constant 0 : i32
      %dma_wait3A_205 = tpu.memref_slice %dma_wait3A_202[%dma_wait3A_203, %dma_wait3A_204] : memref<128x128xf32, #tpu.memory_space<vmem>> -> memref<128x64xf32, #tpu.memory_space<vmem>>
      tpu.wait_dma2 semaphore(%run_scoped3A_169 : memref<!tpu.dma_semaphore, #tpu.memory_space<semaphore_mem>>) src(%dma_wait3A_205 : memref<128x64xf32, #tpu.memory_space<vmem>>) dst(%dma_wait3A_198 : memref<128x64xf32, #tpu.memory_space<hbm>>)
      tpu.yield
    }) : () -> ()
    %dma_wait3A_133 = arith.constant 198 : i32
    %dma_wait3A_134 = arith.constant 3 : i32
    %dma_wait3A_135 = arith.constant 3 : i32
    %dma_wait3A_136 = arith.constant 0 : i32
    %dma_wait3A_137 = arith.constant 0 : i32
    %dma_wait3A_138 = tpu.memref_slice %arg6[%dma_wait3A_134, %dma_wait3A_136, %dma_wait3A_137] : memref<5x128x128xf32, #tpu.memory_space<vmem>> -> memref<1x128x128xf32, #tpu.memory_space<vmem>>
    %dma_wait3A_139 = tpu.memref_squeeze %dma_wait3A_138 : memref<1x128x128xf32, #tpu.memory_space<vmem>> -> memref<128x128xf32, #tpu.memory_space<vmem>>
    %dma_wait3A_140 = arith.constant 0 : i32
    %dma_wait3A_141 = tpu.memref_slice %arg5[%dma_wait3A_133, %dma_wait3A_140] : memref<200x128xi32, #tpu.memory_space<vmem>> -> memref<1x128xi32, #tpu.memory_space<vmem>>
    %dma_wait3A_142 = tpu.memref_squeeze %dma_wait3A_141 : memref<1x128xi32, #tpu.memory_space<vmem>> -> memref<128xi32, #tpu.memory_space<vmem>>
    %dma_wait3A_143 = arith.constant 0 : i32
    %dma_wait3A_144 = arith.constant 0 : i32
    %dma_wait3A_145 = tpu.memref_slice %arg3[%dma_wait3A_143, %dma_wait3A_144] : memref<1000000x128xf32, #tpu.memory_space<hbm>> -> memref<1000000x128xf32, #tpu.memory_space<hbm>>
    %dma_wait3A_146 = tpu.memref_slice %arg7[%dma_wait3A_135] : memref<5x!tpu.dma_semaphore, #tpu.memory_space<semaphore_mem>> -> memref<1x!tpu.dma_semaphore, #tpu.memory_space<semaphore_mem>>
    %dma_wait3A_147 = tpu.memref_squeeze %dma_wait3A_146 : memref<1x!tpu.dma_semaphore, #tpu.memory_space<semaphore_mem>> -> memref<!tpu.dma_semaphore, #tpu.memory_space<semaphore_mem>>
    tpu.wait_indirect_dma semaphore(%dma_wait3A_147 : memref<!tpu.dma_semaphore, #tpu.memory_space<semaphore_mem>>) src(%dma_wait3A_145 : memref<1000000x128xf32, #tpu.memory_space<hbm>>) dst(%dma_wait3A_139 : memref<128x128xf32, #tpu.memory_space<vmem>>)
    %add3A_148 = arith.constant 25344 : i32
    %add3A_149 = arith.addi %mul3A_2, %add3A_148 : i32
    %run_scoped3A_150 = arith.constant 3 : i32
    "tpu.region"() ({
      %run_scoped3A_169 = tpu.sem_alloc : memref<!tpu.dma_semaphore, #tpu.memory_space<semaphore_mem>>
      %dma_start3A_170 = arith.constant 0 : i32
      %dma_start3A_171 = arith.constant 0 : i32
      %dma_start3A_172 = tpu.memref_slice %arg6[%run_scoped3A_150, %dma_start3A_170, %dma_start3A_171] : memref<5x128x128xf32, #tpu.memory_space<vmem>> -> memref<1x128x128xf32, #tpu.memory_space<vmem>>
      %dma_start3A_173 = tpu.memref_squeeze %dma_start3A_172 : memref<1x128x128xf32, #tpu.memory_space<vmem>> -> memref<128x128xf32, #tpu.memory_space<vmem>>
      %dma_start3A_174 = arith.constant 0 : i32
      %dma_start3A_175 = arith.constant 0 : i32
      %dma_start3A_176 = tpu.memref_slice %dma_start3A_173[%dma_start3A_174, %dma_start3A_175] : memref<128x128xf32, #tpu.memory_space<vmem>> -> memref<128x64xf32, #tpu.memory_space<vmem>>
      %dma_start3A_177 = arith.constant 0 : i32
      %dma_start3A_178 = tpu.memref_slice %arg4[%add3A_149, %dma_start3A_177] : memref<819200x64xf32, #tpu.memory_space<hbm>> -> memref<128x64xf32, #tpu.memory_space<hbm>>
      %dma_start3A_179 = arith.constant 0 : i32
      %dma_start3A_180 = tpu.memref_slice %arg4[%add3A_149, %dma_start3A_179] : memref<819200x64xf32, #tpu.memory_space<hbm>> -> memref<128x64xf32, #tpu.memory_space<hbm>>
      %dma_start3A_181 = arith.constant 0 : i32
      %dma_start3A_182 = arith.constant 0 : i32
      %dma_start3A_183 = tpu.memref_slice %arg6[%run_scoped3A_150, %dma_start3A_181, %dma_start3A_182] : memref<5x128x128xf32, #tpu.memory_space<vmem>> -> memref<1x128x128xf32, #tpu.memory_space<vmem>>
      %dma_start3A_184 = tpu.memref_squeeze %dma_start3A_183 : memref<1x128x128xf32, #tpu.memory_space<vmem>> -> memref<128x128xf32, #tpu.memory_space<vmem>>
      %dma_start3A_185 = arith.constant 0 : i32
      %dma_start3A_186 = arith.constant 0 : i32
      %dma_start3A_187 = tpu.memref_slice %dma_start3A_184[%dma_start3A_185, %dma_start3A_186] : memref<128x128xf32, #tpu.memory_space<vmem>> -> memref<128x64xf32, #tpu.memory_space<vmem>>
      tpu.enqueue_dma source(%dma_start3A_187 : memref<128x64xf32, #tpu.memory_space<vmem>>) target(%dma_start3A_180 : memref<128x64xf32, #tpu.memory_space<hbm>>) target_semaphore(%run_scoped3A_169 : memref<!tpu.dma_semaphore, #tpu.memory_space<semaphore_mem>>)
      %dma_wait3A_188 = arith.constant 0 : i32
      %dma_wait3A_189 = arith.constant 0 : i32
      %dma_wait3A_190 = tpu.memref_slice %arg6[%run_scoped3A_150, %dma_wait3A_188, %dma_wait3A_189] : memref<5x128x128xf32, #tpu.memory_space<vmem>> -> memref<1x128x128xf32, #tpu.memory_space<vmem>>
      %dma_wait3A_191 = tpu.memref_squeeze %dma_wait3A_190 : memref<1x128x128xf32, #tpu.memory_space<vmem>> -> memref<128x128xf32, #tpu.memory_space<vmem>>
      %dma_wait3A_192 = arith.constant 0 : i32
      %dma_wait3A_193 = arith.constant 0 : i32
      %dma_wait3A_194 = tpu.memref_slice %dma_wait3A_191[%dma_wait3A_192, %dma_wait3A_193] : memref<128x128xf32, #tpu.memory_space<vmem>> -> memref<128x64xf32, #tpu.memory_space<vmem>>
      %dma_wait3A_195 = arith.constant 0 : i32
      %dma_wait3A_196 = tpu.memref_slice %arg4[%add3A_149, %dma_wait3A_195] : memref<819200x64xf32, #tpu.memory_space<hbm>> -> memref<128x64xf32, #tpu.memory_space<hbm>>
      %dma_wait3A_197 = arith.constant 0 : i32
      %dma_wait3A_198 = tpu.memref_slice %arg4[%add3A_149, %dma_wait3A_197] : memref<819200x64xf32, #tpu.memory_space<hbm>> -> memref<128x64xf32, #tpu.memory_space<hbm>>
      %dma_wait3A_199 = arith.constant 0 : i32
      %dma_wait3A_200 = arith.constant 0 : i32
      %dma_wait3A_201 = tpu.memref_slice %arg6[%run_scoped3A_150, %dma_wait3A_199, %dma_wait3A_200] : memref<5x128x128xf32, #tpu.memory_space<vmem>> -> memref<1x128x128xf32, #tpu.memory_space<vmem>>
      %dma_wait3A_202 = tpu.memref_squeeze %dma_wait3A_201 : memref<1x128x128xf32, #tpu.memory_space<vmem>> -> memref<128x128xf32, #tpu.memory_space<vmem>>
      %dma_wait3A_203 = arith.constant 0 : i32
      %dma_wait3A_204 = arith.constant 0 : i32
      %dma_wait3A_205 = tpu.memref_slice %dma_wait3A_202[%dma_wait3A_203, %dma_wait3A_204] : memref<128x128xf32, #tpu.memory_space<vmem>> -> memref<128x64xf32, #tpu.memory_space<vmem>>
      tpu.wait_dma2 semaphore(%run_scoped3A_169 : memref<!tpu.dma_semaphore, #tpu.memory_space<semaphore_mem>>) src(%dma_wait3A_205 : memref<128x64xf32, #tpu.memory_space<vmem>>) dst(%dma_wait3A_198 : memref<128x64xf32, #tpu.memory_space<hbm>>)
      tpu.yield
    }) : () -> ()
    %dma_wait3A_151 = arith.constant 199 : i32
    %dma_wait3A_152 = arith.constant 4 : i32
    %dma_wait3A_153 = arith.constant 4 : i32
    %dma_wait3A_154 = arith.constant 0 : i32
    %dma_wait3A_155 = arith.constant 0 : i32
    %dma_wait3A_156 = tpu.memref_slice %arg6[%dma_wait3A_152, %dma_wait3A_154, %dma_wait3A_155] : memref<5x128x128xf32, #tpu.memory_space<vmem>> -> memref<1x128x128xf32, #tpu.memory_space<vmem>>
    %dma_wait3A_157 = tpu.memref_squeeze %dma_wait3A_156 : memref<1x128x128xf32, #tpu.memory_space<vmem>> -> memref<128x128xf32, #tpu.memory_space<vmem>>
    %dma_wait3A_158 = arith.constant 0 : i32
    %dma_wait3A_159 = tpu.memref_slice %arg5[%dma_wait3A_151, %dma_wait3A_158] : memref<200x128xi32, #tpu.memory_space<vmem>> -> memref<1x128xi32, #tpu.memory_space<vmem>>
    %dma_wait3A_160 = tpu.memref_squeeze %dma_wait3A_159 : memref<1x128xi32, #tpu.memory_space<vmem>> -> memref<128xi32, #tpu.memory_space<vmem>>
    %dma_wait3A_161 = arith.constant 0 : i32
    %dma_wait3A_162 = arith.constant 0 : i32
    %dma_wait3A_163 = tpu.memref_slice %arg3[%dma_wait3A_161, %dma_wait3A_162] : memref<1000000x128xf32, #tpu.memory_space<hbm>> -> memref<1000000x128xf32, #tpu.memory_space<hbm>>
    %dma_wait3A_164 = tpu.memref_slice %arg7[%dma_wait3A_153] : memref<5x!tpu.dma_semaphore, #tpu.memory_space<semaphore_mem>> -> memref<1x!tpu.dma_semaphore, #tpu.memory_space<semaphore_mem>>
    %dma_wait3A_165 = tpu.memref_squeeze %dma_wait3A_164 : memref<1x!tpu.dma_semaphore, #tpu.memory_space<semaphore_mem>> -> memref<!tpu.dma_semaphore, #tpu.memory_space<semaphore_mem>>
    tpu.wait_indirect_dma semaphore(%dma_wait3A_165 : memref<!tpu.dma_semaphore, #tpu.memory_space<semaphore_mem>>) src(%dma_wait3A_163 : memref<1000000x128xf32, #tpu.memory_space<hbm>>) dst(%dma_wait3A_157 : memref<128x128xf32, #tpu.memory_space<vmem>>)
    %add3A_166 = arith.constant 25472 : i32
    %add3A_167 = arith.addi %mul3A_2, %add3A_166 : i32
    %run_scoped3A_168 = arith.constant 4 : i32
    "tpu.region"() ({
      %run_scoped3A_169 = tpu.sem_alloc : memref<!tpu.dma_semaphore, #tpu.memory_space<semaphore_mem>>
      %dma_start3A_170 = arith.constant 0 : i32
      %dma_start3A_171 = arith.constant 0 : i32
      %dma_start3A_172 = tpu.memref_slice %arg6[%run_scoped3A_168, %dma_start3A_170, %dma_start3A_171] : memref<5x128x128xf32, #tpu.memory_space<vmem>> -> memref<1x128x128xf32, #tpu.memory_space<vmem>>
      %dma_start3A_173 = tpu.memref_squeeze %dma_start3A_172 : memref<1x128x128xf32, #tpu.memory_space<vmem>> -> memref<128x128xf32, #tpu.memory_space<vmem>>
      %dma_start3A_174 = arith.constant 0 : i32
      %dma_start3A_175 = arith.constant 0 : i32
      %dma_start3A_176 = tpu.memref_slice %dma_start3A_173[%dma_start3A_174, %dma_start3A_175] : memref<128x128xf32, #tpu.memory_space<vmem>> -> memref<128x64xf32, #tpu.memory_space<vmem>>
      %dma_start3A_177 = arith.constant 0 : i32
      %dma_start3A_178 = tpu.memref_slice %arg4[%add3A_167, %dma_start3A_177] : memref<819200x64xf32, #tpu.memory_space<hbm>> -> memref<128x64xf32, #tpu.memory_space<hbm>>
      %dma_start3A_179 = arith.constant 0 : i32
      %dma_start3A_180 = tpu.memref_slice %arg4[%add3A_167, %dma_start3A_179] : memref<819200x64xf32, #tpu.memory_space<hbm>> -> memref<128x64xf32, #tpu.memory_space<hbm>>
      %dma_start3A_181 = arith.constant 0 : i32
      %dma_start3A_182 = arith.constant 0 : i32
      %dma_start3A_183 = tpu.memref_slice %arg6[%run_scoped3A_168, %dma_start3A_181, %dma_start3A_182] : memref<5x128x128xf32, #tpu.memory_space<vmem>> -> memref<1x128x128xf32, #tpu.memory_space<vmem>>
      %dma_start3A_184 = tpu.memref_squeeze %dma_start3A_183 : memref<1x128x128xf32, #tpu.memory_space<vmem>> -> memref<128x128xf32, #tpu.memory_space<vmem>>
      %dma_start3A_185 = arith.constant 0 : i32
      %dma_start3A_186 = arith.constant 0 : i32
      %dma_start3A_187 = tpu.memref_slice %dma_start3A_184[%dma_start3A_185, %dma_start3A_186] : memref<128x128xf32, #tpu.memory_space<vmem>> -> memref<128x64xf32, #tpu.memory_space<vmem>>
      tpu.enqueue_dma source(%dma_start3A_187 : memref<128x64xf32, #tpu.memory_space<vmem>>) target(%dma_start3A_180 : memref<128x64xf32, #tpu.memory_space<hbm>>) target_semaphore(%run_scoped3A_169 : memref<!tpu.dma_semaphore, #tpu.memory_space<semaphore_mem>>)
      %dma_wait3A_188 = arith.constant 0 : i32
      %dma_wait3A_189 = arith.constant 0 : i32
      %dma_wait3A_190 = tpu.memref_slice %arg6[%run_scoped3A_168, %dma_wait3A_188, %dma_wait3A_189] : memref<5x128x128xf32, #tpu.memory_space<vmem>> -> memref<1x128x128xf32, #tpu.memory_space<vmem>>
      %dma_wait3A_191 = tpu.memref_squeeze %dma_wait3A_190 : memref<1x128x128xf32, #tpu.memory_space<vmem>> -> memref<128x128xf32, #tpu.memory_space<vmem>>
      %dma_wait3A_192 = arith.constant 0 : i32
      %dma_wait3A_193 = arith.constant 0 : i32
      %dma_wait3A_194 = tpu.memref_slice %dma_wait3A_191[%dma_wait3A_192, %dma_wait3A_193] : memref<128x128xf32, #tpu.memory_space<vmem>> -> memref<128x64xf32, #tpu.memory_space<vmem>>
      %dma_wait3A_195 = arith.constant 0 : i32
      %dma_wait3A_196 = tpu.memref_slice %arg4[%add3A_167, %dma_wait3A_195] : memref<819200x64xf32, #tpu.memory_space<hbm>> -> memref<128x64xf32, #tpu.memory_space<hbm>>
      %dma_wait3A_197 = arith.constant 0 : i32
      %dma_wait3A_198 = tpu.memref_slice %arg4[%add3A_167, %dma_wait3A_197] : memref<819200x64xf32, #tpu.memory_space<hbm>> -> memref<128x64xf32, #tpu.memory_space<hbm>>
      %dma_wait3A_199 = arith.constant 0 : i32
      %dma_wait3A_200 = arith.constant 0 : i32
      %dma_wait3A_201 = tpu.memref_slice %arg6[%run_scoped3A_168, %dma_wait3A_199, %dma_wait3A_200] : memref<5x128x128xf32, #tpu.memory_space<vmem>> -> memref<1x128x128xf32, #tpu.memory_space<vmem>>
      %dma_wait3A_202 = tpu.memref_squeeze %dma_wait3A_201 : memref<1x128x128xf32, #tpu.memory_space<vmem>> -> memref<128x128xf32, #tpu.memory_space<vmem>>
      %dma_wait3A_203 = arith.constant 0 : i32
      %dma_wait3A_204 = arith.constant 0 : i32
      %dma_wait3A_205 = tpu.memref_slice %dma_wait3A_202[%dma_wait3A_203, %dma_wait3A_204] : memref<128x128xf32, #tpu.memory_space<vmem>> -> memref<128x64xf32, #tpu.memory_space<vmem>>
      tpu.wait_dma2 semaphore(%run_scoped3A_169 : memref<!tpu.dma_semaphore, #tpu.memory_space<semaphore_mem>>) src(%dma_wait3A_205 : memref<128x64xf32, #tpu.memory_space<vmem>>) dst(%dma_wait3A_198 : memref<128x64xf32, #tpu.memory_space<hbm>>)
      tpu.yield
    }) : () -> ()
    return
  }
}

</mosaic_0001>

<sc_bundles>
// kernel: kernel.3.cloned.1.call-start
scs
__scs_entry_jumppad:
0x0: {  	(pc) =	sbr.rel $0x88, $3  }
0x1: {  	(tag) =	ssettag $0x0;
	lr =	simm.s32 $0x1  }
0x2: {  	[smem:$0x3F9F] =	sst lr;
	_ =	strace $0xD0000000  }
0x3: {  	_ = 	snop  }
0x4: {  	_ = 	snop  }
0x5: {  	_ = 	snop  }
0x6: {  	_ = 	snop  }
0x7: {  	_ = 	snop  }
__scs_overlays_trampoline_lowered:
0x8: {  	[smem:$0x3FAE] =	sst s0  }
0x9: {  	[smem:$0x3FAF] =	sst s1  }
0xa: {  	[smem:$0x3FB0] =	sst s2  }
0xb: {  	[smem:$0x3FB1] =	sst s3  }
0xc: {  	[smem:$0x3FB2] =	sst s4  }
0xd: {  	[smem:$0x3FB3] =	sst s5  }
0xe: {  	[smem:$0x3FB4] =	sst s6  }
0xf: {  	[smem:$0x3FB5] =	sst s7  }
0x10: {  	[smem:$0x3FB6] =	sst s8  }
0x11: {  	[smem:$0x3FB7] =	sst s9;
	s0 =	simm.s32 @!p0 $0x0  }
0x12: {  	s1 =	sld [smem:$0x3F9D];
	s0 =	simm.s32 @p0 $0x1  }
0x13: {  	[smem:$0x3FB8] =	sst s0;
	s0 =	simm.s32 @!p1 $0x0  }
0x14: {  	s2 =	sld [smem:$0x3F9C];
	s0 =	simm.s32 @p1 $0x1  }
0x15: {  	[smem:$0x3FB9] =	sst s0;
	s0 =	simm.s32 @!p2 $0x0  }
0x16: {  	s3 =	sld [smem:$0x3FDB];
	s0 =	simm.s32 @p2 $0x1  }
0x17: {  	s4 =	simm.s32 $0x1BF5;
	[smem:$0x3FBB] =	sst s0  }
0x18: {  	s0 =	sld [smem:$0x3F9E];
	_ =	swait.ge [sflag:s4], $0x0  }
0x19: {  	s7 =	sld [smem:$0x3F9F]  }
0x1a: {  	s8 =	sadd.s32 $0xFFFFE003, lr  }
0x1b: {  	s9 =	sadd.s32 $0xFFFFFEF7, lr;
	s5 =	simm.s32 $0xFFFFFFFF;
	p2 =	slt.u32 s8, $0xFFFFF086  }
0x1c: {  	p1 =	slt.u32 s9, $0xF7A;
	s5 =	simm.s32 @!p2 $0x0  }
0x1d: {  	s5 =	simm.s32 @p1 $0x1;
	p0 =	seq.s32 s7, s2  }
0x1e: {  	s7 =	smul.u32 @!p0 $0xF7A, s2;
	p2 =	seq.s32 @!p0 s5, $0x0  }
0x1f: {  	s9 =	smul.u32 $0xF7A, s1;
	s8 =	simm.s32 @!p0 $0x1BF5;
	p2 =	por !p2, p0  }
0x20: {  	[sflag:s8] =	ssyncset.s32 @!p0 $0xFFFFF086;
	s6 =	sadd.s32 @!p0 s3, s7;
	s7 =	simm.s32 @!p0 $0x108  }
0x21: {  	s3 =	sadd.s32 s3, s9;
	s6 =	sadd.s32 @!p0 $0x88, s6;
	s7 =	simm.s32 @p2 $0x1082  }
0x22: {  	[simem:s7], [sflag:s8] =	dma.local @!p0 [hbm:s6], $0xF7A  }
0x23: {  	s9 =	sor.u32 $0xD0000000, s2;
	s6 =	simm.s32 $0x108;
	_ =	swait.ge @!p0 [sflag:s8], $0x0  }
0x24: {  	s3 =	sadd.s32 $0x88, s3;
	s6 =	simm.s32 @!p1 $0x1082;
	[sflag:s4] =	ssyncset.s32 $0xFFFFF086  }
0x25: {  	[simem:s6], [sflag:s4] =	dma.local [hbm:s3], $0xF7A  }
0x26: {  	[smem:$0x3F9F] =	sst s1;
	(tag) =	ssettag s2;
	_ =	strace s9  }
0x27: {  	s1 =	sld [smem:$0x3FAF]  }
0x28: {  	s2 =	sld [smem:$0x3FB0]  }
0x29: {  	s4 =	sld [smem:$0x3FB2]  }
0x2a: {  	p0 =	seq.s32 s5, $0x0;
	s5 =	sld [smem:$0x3FB3]  }
0x2b: {  	s6 =	sld [smem:$0x3FB4]  }
0x2c: {  	s7 =	sld [smem:$0x3FB5]  }
0x2d: {  	s3 =	simm.s32 $0x108;
	s8 =	sld [smem:$0x3FB6]  }
0x2e: {  	s3 =	simm.s32 @!p0 $0x1082;
	s9 =	sld [smem:$0x3FB7]  }
0x2f: {  	lr =	sadd.s32 s0, s3;
	s0 =	sld [smem:$0x3FAE]  }
0x30: {  	s3 =	sld [smem:$0x3FB1]  }
0x31: {  	[smem:$0x3FBA] =	sst s10  }
0x32: {  	s10 =	sld [smem:$0x3FB8];
	_ =	sdelay $0x3  }
0x33: {  	p0 =	seq.s32 s10, $0x1;
	s10 =	sld [smem:$0x3FBA];
	_ =	sdelay $0x3  }
0x34: {  	[smem:$0x3FBA] =	sst s10  }
0x35: {  	s10 =	sld [smem:$0x3FB9];
	_ =	sdelay $0x3  }
0x36: {  	p1 =	seq.s32 s10, $0x1;
	s10 =	sld [smem:$0x3FBA];
	_ =	sdelay $0x3  }
0x37: {  	[smem:$0x3FBA] =	sst s10  }
0x38: {  	s10 =	sld [smem:$0x3FBB]  }
0x39: {  	_ = 	snop;
	(pc) =	sbr.ind lr, $3  }
0x3a: {  	_ = 	snop  }
0x3b: {  	_ = 	snop  }
0x3c: {  	p2 =	seq.s32 s10, $0x1;
	s10 =	sld [smem:$0x3FBA]  }
0x3d: {  	_ =	shalt  }
0x3e: {  	_ =	shalt  }
0x3f: {  	_ =	shalt  }
0x40: {  	_ =	shalt  }
0x41: {  	_ =	shalt  }
0x42: {  	_ =	shalt  }
0x43: {  	_ =	shalt  }
0x44: {  	_ =	shalt  }
0x45: {  	_ =	shalt  }
0x46: {  	_ =	shalt  }
0x47: {  	_ =	shalt  }
0x48: {  	_ =	shalt  }
0x49: {  	_ =	shalt  }
0x4a: {  	_ =	shalt  }
0x4b: {  	_ =	shalt  }
0x4c: {  	_ =	shalt  }
0x4d: {  	_ =	shalt  }
0x4e: {  	_ =	shalt  }
0x4f: {  	_ =	shalt  }
0x50: {  	_ =	shalt  }
0x51: {  	_ =	shalt  }
0x52: {  	_ =	shalt  }
0x53: {  	_ =	shalt  }
0x54: {  	_ =	shalt  }
0x55: {  	_ =	shalt  }
0x56: {  	_ =	shalt  }
0x57: {  	_ =	shalt  }
0x58: {  	_ =	shalt  }
0x59: {  	_ =	shalt  }
0x5a: {  	_ =	shalt  }
0x5b: {  	_ =	shalt  }
0x5c: {  	_ =	shalt  }
0x5d: {  	_ =	shalt  }
0x5e: {  	_ =	shalt  }
0x5f: {  	_ =	shalt  }
0x60: {  	_ =	shalt  }
0x61: {  	_ =	shalt  }
0x62: {  	_ =	shalt  }
0x63: {  	_ =	shalt  }
0x64: {  	_ =	shalt  }
0x65: {  	_ =	shalt  }
0x66: {  	_ =	shalt  }
0x67: {  	_ =	shalt  }
0x68: {  	_ =	shalt  }
0x69: {  	_ =	shalt  }
0x6a: {  	_ =	shalt  }
0x6b: {  	_ =	shalt  }
0x6c: {  	_ =	shalt  }
0x6d: {  	_ =	shalt  }
0x6e: {  	_ =	shalt  }
0x6f: {  	_ =	shalt  }
0x70: {  	_ =	shalt  }
0x71: {  	_ =	shalt  }
0x72: {  	_ =	shalt  }
0x73: {  	_ =	shalt  }
0x74: {  	_ =	shalt  }
0x75: {  	_ =	shalt  }
0x76: {  	_ =	shalt  }
0x77: {  	_ =	shalt  }
0x78: {  	_ =	shalt  }
0x79: {  	_ =	shalt  }
0x7a: {  	_ =	shalt  }
0x7b: {  	_ =	shalt  }
0x7c: {  	_ =	shalt  }
0x7d: {  	_ =	shalt  }
0x7e: {  	_ =	shalt  }
0x7f: {  	_ =	shalt  }
0x80: {  	_ =	shalt  }
0x81: {  	_ =	shalt  }
0x82: {  	_ =	shalt  }
0x83: {  	_ =	shalt  }
0x84: {  	_ =	shalt  }
0x85: {  	_ =	shalt  }
0x86: {  	_ =	shalt  }
0x87: {  	_ =	shalt  }
.Lfunc_end0:
.L_simem_size_0:
called_computation.1_lowered:
.L_overlay_start_0:
0x88: {  	s2 =	sld [smem:$0x3FD9]  }
0x89: {  	s3 =	sld [smem:$0x3FFE];
	_ =	sdelay $0x1  }
0x8a: {  	s1 =	srdreg.scid  }
0x8b: {  	s0 =	sand.u32 $0x1, s1  }
0x8c: {  	s17 =	sshll.u32 s0, $0xA;
	s2 =	sadd.s32 s3, s2  }
0x8d: {  	s2 =	sadd.s32 s2, s17  }
0x8e: {  	[smem:$0x3FC6] =	sst s2  }
0x8f: {  	_ = 	snop  }
0x90: {  	s2 =	sld [smem:$0x3FD0];
	(tm) =	ssettm $0x1  }
0x91: {  	s18 =	sld [smem:$0x3FFB];
	_ =	sdelay $0x3  }
0x92: {  	_ =	strace s18  }
0x93: {  	s3 =	sld [smem:$0x3FFC];
	_ =	sdelay $0x3  }
0x94: {  	_ =	strace s3  }
0x95: {  	s3 =	sld [smem:$0x3FFD];
	_ =	sdelay $0x3  }
0x96: {  	_ =	strace s3  }
0x97: {  	_ =	strace $0x8FFFFFFF  }
0x98: {  	s19 =	sld [smem:$0x3FDB];
	_ =	sdelay $0x1  }
0x99: {  	s4 =	simm.s32 $_scs_section_size  }
0x9a: {  	s5 =	simm.s32 $_size__tile_overlayer_lowered;
	s6 =	simm.s32 $_tile_overlayer_lowered  }
0x9b: {  	s22 =	simm.s32 $0x1BFF;
	s21 =	sshll.u32 s6, $0x1;
	s3 =	sadd.s32 s4, s19  }
0x9c: {  	s7 =	simm.s32 $0x0;
	s20 =	sshll.u32 s5, $0x1;
	s5 =	sadd.s32 s21, s3  }
0x9d: {  	[timem:s7], [sflag:s22] =	dma.local [hbm:s5], s20  }
0x9e: {  	_ =	swait.ge [sflag:s22], s20  }
0x9f: {  	s4 =	ssub.s32 $0x0, s20;
	[sflag:s22] =	ssyncset.done $0x0  }
0xa0: {  	[sflag:s22] =	ssyncadd.s32 s4;
	_ =	sdelay $0x1  }
0xa1: {  	s23 =	simm.s32 $0x1B8B  }
0xa2: {  	_ =	swait.ge [sflag:s23], $0x1  }
0xa3: {  	[sflag:s23] =	ssyncset.done $0x0  }
0xa4: {  	s25 =	simm.s32 $0x1B8E;
	s24 =	sld [smem:$0x3FFE];
	[sflag:s23] =	ssyncadd.s32 $0xFFFFFFFF  }
0xa5: {  	s26 =	simm.s32 $execute0_lowered;
	[smem:$0x3FD2] =	sst s25  }
0xa6: {  	s5 =	sshll.u32 s26, $0x1;
	_ =	strace $0x80000046;
	[dreg:$0x1] =	wrdreg $0xFFFFFFFF  }
0xa7: {  	s28 =	simm.s32 $_size_execute0_lowered;
	s3 =	sadd.s32 s3, s5;
	[dreg:$0x0] =	wrdreg $0x0  }
0xa8: {  	s5 =	sshll.u32 s28, $0x1;
	[dreg:$0x2] =	wrdreg s3  }
0xa9: {  	[dreg:$0x3] =	wrdreg s5  }
0xaa: {  	[dreg:$0x4] =	wrdreg $0xC0  }
0xab: {  	_ =	task [dreg:s7], $0x5FFFF  }
0xac: {  	[dreg:$0x1] =	wrdreg $0xFFFFFFFF  }
0xad: {  	[dreg:$0x0] =	wrdreg $0x60  }
0xae: {  	[dreg:$0x2] =	wrdreg s24  }
0xaf: {  	[dreg:$0x3] =	wrdreg s2  }
0xb0: {  	[dreg:$0x4] =	wrdreg $0x9  }
0xb1: {  	_ =	task.clear_ibuf [dreg:s7], $0x5FFFF;
	_ =	strace $0x90000046  }
0xb2: {  	s29 =	simm.s32 $0x9;
	_ =	strace $0x80000048  }
0xb3: {  	_ =	swait.ge [sflag:s29], $0x1  }
0xb4: {  	[sflag:s29] =	ssyncadd.s32 $0xFFFFFFFF  }
0xb5: {  	_ =	strace $0x90000048  }
0xb6: {  	_ =	sfence  }
0xb7: {  	s30 =	sld [smem:$0x0];
	_ =	sdelay $0x2  }
0xb8: {  	s31 =	sshll.u32 s1, $0xD;
	s1 =	sshrl.u32 s1, $0x2  }
0xb9: {  	s3 =	sand.u32 $0x4000, s31;
	s1 =	sadd.s32 s1, s30  }
0xba: {  	s0 =	sor.u32 s3, s0;
	s1 =	sshll.u32 s1, $0x11  }
0xbb: {  	s0 =	sor.u32 s1, s0  }
0xbc: {  	s0 =	sadd.s32 $0x8F2B, s0  }
0xbd: {  	[sflag:s0] =	ssyncadd.remote.s32 $0x1  }
0xbe: {  	_ =	sfence.sel $0xFFFF  }
0xbf: {  	[dreg:$0x0] =	wrdreg $0xFFFFFFFF;
	(pc) =	sbr.abs _section_cstart, $3  }
0xc0: {  	[dreg:$0x1] =	wrdreg $0xFFFFFFFF  }
0xc1: {  	_ =	task.clear_ibuf [dreg:s7], $0x2FFFF;
	_ =	strace $0x9FFFFFFF  }
0xc2: {  	(tm) =	ssettm $0x7FFFFFFF  }
0xc3: {  	_ =	shalt  }
tec
execute0_lowered:
.L_overlay_start_1:
0x0: {  	(tag) =	ssettag $0x1  }
0x1: {  	s0 =	rddreg [dreg:$0x0];
	s1 =	srdreg.scid  }
0x2: {  	s3 =	stileid.u32;
	s2 =	rddreg [dreg:$0x1];
	s17 =	simm.s32 $0x6  }
0x3: {  	s18 =	simm.s32 $0x80;
	s22 =	simm.s32 $0xE400;
	s28 =	simm.s32 $0x1  }
0x4: {  	s29 =	simm.s32 $0x2;
	s1 =	sand.u32 $0x1, s1;
	s4 =	sshll.u32 s3, $0x1  }
0x5: {  	s30 =	simm.s32 $0x3;
	s3 =	simm.s32 $0x0;
	s5 =	sor.u32 s1, s4  }
0x6: {  	s31 =	simm.s32 $0x4;
	[smem:$0x7FF] =	sst s3;
	s4 =	smul.u32 $0x6400, s5  }
0x7: {  	s1 =	ssub.s32 $0x2, s1;
	_ =	strace $0x80000047;
	s7 =	smul.u32 $0x190000, s5  }
0x8: {  	s5 =	sadd.s32 $0xF5BE00, s0;
	s24 =	sshrl.u32 s1, $0x1;
	s6 =	sshrl.u32 s4, $0x3  }
0x9: {  	s26 =	sshrl.u32 s7, $0x3;
	s7 =	sor.u32 $0x80, s4;
	s8 =	sor.u32 $0x100, s4  }
0xa: {  	s9 =	sor.u32 $0x180, s4;
	s10 =	sor.u32 $0x200, s4;
	s6 =	sadd.s32 s6, s0  }
0xb: {  	s0 =	ssub.s32 s1, s24;
	s1 =	sadd.s32 s2, s26;
	s24 =	simm.s32 $0x12400  }
0xc: {  	s26 =	simm.s32 $0x16400;
	s25 =	sadd.s32 $0xF42E00, s6;
	s11 =	sadd.s32 $0x30C00, s1  }
0xd: {  	s12 =	sadd.s32 $0x31000, s1;
	s13 =	sadd.s32 $0x31400, s1;
	s14 =	sadd.s32 $0x31800, s1  }
0xe: {  	s15 =	sadd.s32 $0x31C00, s1;
	s0 =	smax.u32 s0, $0x1;
	[dreg:$0x3] =	wrdreg s25  }
0xf: {  	s1 =	simm.s32 $0x5;
	s6 =	simm.s32 $0x0;
	[dreg:$0x4] =	wrdreg s0  }
.LBB2_1:
0x10: {  	[dreg:$0x5] =	wrdreg s6  }
0x11: {  	s0 =	rddreg [dreg:$0x3]  }
0x12: {  	[tilespmem:s3], [sflag:$0x6] =	stream.linear.gather [hbm4b:s0+s3], $0x6400, $0x38;
	[tilespmem:$0x1A400] =	vst v63  }
0x13: {  	_ =	swait.ge [sflag:s17], $0x6400  }
0x14: {  	[sflag:s17] =	ssyncset.done $0x0  }
0x15: {  	s19 =	simm.s32 $0x6400;
	[sflag:s17] =	ssyncadd.s32 $0xFFFF9C00  }
0x16: {  	[tilespmem:s19], [sflag:$0x1] =	stream.indirect.gather [hbm4b:s5+s18], $0x80, s3, s18, $0xb8;
	[tilespmem:$0x1A400] =	vst v63  }
0x17: {  	s20 =	simm.s32 $0xA400  }
0x18: {  	[tilespmem:s20], [sflag:$0x2] =	stream.indirect.gather [hbm4b:s5+s18], $0x80, s18, s18, $0xb8;
	[tilespmem:$0x1A400] =	vst v63  }
0x19: {  	s21 =	simm.s32 $0x100  }
0x1a: {  	[tilespmem:s22], [sflag:$0x3] =	stream.indirect.gather [hbm4b:s5+s18], $0x80, s21, s18, $0xb8;
	[tilespmem:$0x1A400] =	vst v63  }
0x1b: {  	s23 =	simm.s32 $0x180  }
0x1c: {  	[tilespmem:s24], [sflag:$0x4] =	stream.indirect.gather [hbm4b:s5+s18], $0x80, s23, s18, $0xb8;
	[tilespmem:$0x1A400] =	vst v63  }
0x1d: {  	s25 =	simm.s32 $0x200;
	s21 =	simm.s32 $0x0  }
0x1e: {  	[tilespmem:s26], [sflag:$0x5] =	stream.indirect.gather [hbm4b:s5+s18], $0x80, s25, s18, $0xb8;
	[tilespmem:$0x1A400] =	vst v63  }
.LBB2_2:
0x1f: {  	s23 =	smul.u32 $0x280, s21;
	_ =	sdelay $0x1  }
0x20: {  	s0 =	sadd.s32 s4, s23  }
0x21: {  	_ =	swait.ge [sflag:s28], $0x4000;
	s6 =	simm.s32 $0x6400;
	s0 =	sshll.u32 s0, $0x3  }
0x22: {  	s16 =	simm.s32 $0x8;
	[sflag:s28] =	ssyncset.done $0x0;
	s25 =	sadd.s32 s2, s0  }
0x23: {  	[sflag:s28] =	ssyncadd.s32 $0xFFFFC000;
	s0 =	simm.s32 $0x6480;
	s19 =	sadd.s32 $0x0, s25  }
.LBB2_3:
0x24: {  	[hbm4b:s19+s3] =	stream.linear.scatter [tilespmem:s6], [sflag:$0x6], $0x40, $0x38;
	[tilespmem:$0x1A400] =	vst v63  }
0x25: {  	s19 =	smov.u32 s16;
	s6 =	smov.u32 s0;
	p0 =	sne.s32 s16, $0x3F8  }
.Ltmp0:
0x26: {  	s16 =	sadd.s32 $0x8, s16;
	(pc) =	sbr.rel @p0 .LBB2_3-.Ltmp0, $2  }
0x27: {  	_ =	sdelay $0x2  }
0x28: {  	s0 =	sadd.s32 $0x80, s0;
	s19 =	sadd.s32 s19, s25  }
0x29: {  	[hbm4b:s19+s3] =	stream.linear.scatter [tilespmem:s6], [sflag:$0x6], $0x40, $0x38;
	[tilespmem:$0x1A400] =	vst v63  }
0x2a: {  	s0 =	smul.u32 $0xA00, s21  }
0x2b: {  	_ =	swait.ge [sflag:s17], $0x2000  }
0x2c: {  	s19 =	simm.s32 $0x6400;
	[sflag:s17] =	ssyncset.done $0x0;
	s25 =	sshra.s32 s0, $0x2  }
0x2d: {  	s20 =	sadd.s32 s23, s7;
	[sflag:s17] =	ssyncadd.s32 $0xFFFFE000;
	s0 =	sadd.s32 $0x280, s25  }
0x2e: {  	[tilespmem:s19], [sflag:$0x1] =	stream.indirect.gather [hbm4b:s5+s18], $0x80, s0, s18, $0xb8;
	[tilespmem:$0x1A400] =	vst v63  }
0x2f: {  	s0 =	sshll.u32 s20, $0x3  }
0x30: {  	s16 =	simm.s32 $0xA400;
	_ =	swait.ge [sflag:s29], $0x4000;
	s0 =	sand.u32 $0x1FFFFC00, s0  }
0x31: {  	s19 =	simm.s32 $0xA480;
	[sflag:s29] =	ssyncset.done $0x0;
	s6 =	sadd.s32 s2, s0  }
0x32: {  	s0 =	simm.s32 $0x8;
	[sflag:s29] =	ssyncadd.s32 $0xFFFFC000;
	s20 =	sadd.s32 $0x0, s6  }
.LBB2_5:
0x33: {  	[hbm4b:s20+s3] =	stream.linear.scatter [tilespmem:s16], [sflag:$0x6], $0x40, $0x38;
	[tilespmem:$0x1A400] =	vst v63  }
0x34: {  	s20 =	smov.u32 s0;
	s16 =	smov.u32 s19;
	p0 =	sne.s32 s0, $0x3F8  }
.Ltmp1:
0x35: {  	s0 =	sadd.s32 $0x8, s0;
	(pc) =	sbr.rel @p0 .LBB2_5-.Ltmp1, $2  }
0x36: {  	_ =	sdelay $0x2  }
0x37: {  	s19 =	sadd.s32 $0x80, s19;
	s20 =	sadd.s32 s20, s6  }
0x38: {  	[hbm4b:s20+s3] =	stream.linear.scatter [tilespmem:s16], [sflag:$0x6], $0x40, $0x38;
	[tilespmem:$0x1A400] =	vst v63  }
0x39: {  	_ =	swait.ge [sflag:s17], $0x2000  }
0x3a: {  	s0 =	sadd.s32 $0x300, s25;
	[sflag:s17] =	ssyncset.done $0x0  }
0x3b: {  	s6 =	simm.s32 $0xA400;
	s20 =	sadd.s32 s23, s8;
	[sflag:s17] =	ssyncadd.s32 $0xFFFFE000  }
0x3c: {  	[tilespmem:s6], [sflag:$0x2] =	stream.indirect.gather [hbm4b:s5+s18], $0x80, s0, s18, $0xb8;
	[tilespmem:$0x1A400] =	vst v63  }
0x3d: {  	s0 =	sshll.u32 s20, $0x3  }
0x3e: {  	s16 =	simm.s32 $0xE400;
	_ =	swait.ge [sflag:s30], $0x4000;
	s0 =	sand.u32 $0x1FFFFC00, s0  }
0x3f: {  	s19 =	simm.s32 $0xE480;
	[sflag:s30] =	ssyncset.done $0x0;
	s6 =	sadd.s32 s2, s0  }
0x40: {  	s0 =	simm.s32 $0x8;
	[sflag:s30] =	ssyncadd.s32 $0xFFFFC000;
	s20 =	sadd.s32 $0x0, s6  }
.LBB2_7:
0x41: {  	[hbm4b:s20+s3] =	stream.linear.scatter [tilespmem:s16], [sflag:$0x6], $0x40, $0x38;
	[tilespmem:$0x1A400] =	vst v63  }
0x42: {  	s20 =	smov.u32 s0;
	s16 =	smov.u32 s19;
	p0 =	sne.s32 s0, $0x3F8  }
.Ltmp2:
0x43: {  	s0 =	sadd.s32 $0x8, s0;
	(pc) =	sbr.rel @p0 .LBB2_7-.Ltmp2, $2  }
0x44: {  	_ =	sdelay $0x2  }
0x45: {  	s19 =	sadd.s32 $0x80, s19;
	s20 =	sadd.s32 s20, s6  }
0x46: {  	[hbm4b:s20+s3] =	stream.linear.scatter [tilespmem:s16], [sflag:$0x6], $0x40, $0x38;
	[tilespmem:$0x1A400] =	vst v63  }
0x47: {  	_ =	swait.ge [sflag:s17], $0x2000  }
0x48: {  	[sflag:s17] =	ssyncset.done $0x0  }
0x49: {  	s0 =	sadd.s32 $0x380, s25;
	s20 =	sadd.s32 s23, s9;
	[sflag:s17] =	ssyncadd.s32 $0xFFFFE000  }
0x4a: {  	[tilespmem:s22], [sflag:$0x3] =	stream.indirect.gather [hbm4b:s5+s18], $0x80, s0, s18, $0xb8;
	[tilespmem:$0x1A400] =	vst v63  }
0x4b: {  	s0 =	sshll.u32 s20, $0x3  }
0x4c: {  	s16 =	simm.s32 $0x12400;
	_ =	swait.ge [sflag:s31], $0x4000;
	s0 =	sand.u32 $0x1FFFFC00, s0  }
0x4d: {  	s19 =	simm.s32 $0x12480;
	[sflag:s31] =	ssyncset.done $0x0;
	s6 =	sadd.s32 s2, s0  }
0x4e: {  	s0 =	simm.s32 $0x8;
	[sflag:s31] =	ssyncadd.s32 $0xFFFFC000;
	s20 =	sadd.s32 $0x0, s6  }
.LBB2_9:
0x4f: {  	[hbm4b:s20+s3] =	stream.linear.scatter [tilespmem:s16], [sflag:$0x6], $0x40, $0x38;
	[tilespmem:$0x1A400] =	vst v63  }
0x50: {  	s20 =	smov.u32 s0;
	s16 =	smov.u32 s19;
	p0 =	sne.s32 s0, $0x3F8  }
.Ltmp3:
0x51: {  	s0 =	sadd.s32 $0x8, s0;
	(pc) =	sbr.rel @p0 .LBB2_9-.Ltmp3, $2  }
0x52: {  	_ =	sdelay $0x2  }
0x53: {  	s19 =	sadd.s32 $0x80, s19;
	s20 =	sadd.s32 s20, s6  }
0x54: {  	[hbm4b:s20+s3] =	stream.linear.scatter [tilespmem:s16], [sflag:$0x6], $0x40, $0x38;
	[tilespmem:$0x1A400] =	vst v63  }
0x55: {  	_ =	swait.ge [sflag:s17], $0x2000  }
0x56: {  	[sflag:s17] =	ssyncset.done $0x0  }
0x57: {  	s0 =	sadd.s32 $0x400, s25;
	s23 =	sadd.s32 s23, s10;
	[sflag:s17] =	ssyncadd.s32 $0xFFFFE000  }
0x58: {  	[tilespmem:s24], [sflag:$0x4] =	stream.indirect.gather [hbm4b:s5+s18], $0x80, s0, s18, $0xb8;
	[tilespmem:$0x1A400] =	vst v63  }
0x59: {  	s0 =	sshll.u32 s23, $0x3  }
0x5a: {  	s16 =	simm.s32 $0x16400;
	_ =	swait.ge [sflag:s1], $0x4000;
	s0 =	sand.u32 $0x1FFFFC00, s0  }
0x5b: {  	s19 =	simm.s32 $0x16480;
	[sflag:s1] =	ssyncset.done $0x0;
	s6 =	sadd.s32 s2, s0  }
0x5c: {  	s0 =	simm.s32 $0x8;
	[sflag:s1] =	ssyncadd.s32 $0xFFFFC000;
	s20 =	sadd.s32 $0x0, s6  }
.LBB2_11:
0x5d: {  	[hbm4b:s20+s3] =	stream.linear.scatter [tilespmem:s16], [sflag:$0x6], $0x40, $0x38;
	[tilespmem:$0x1A400] =	vst v63  }
0x5e: {  	s20 =	smov.u32 s0;
	s16 =	smov.u32 s19;
	p0 =	sne.s32 s0, $0x3F8  }
.Ltmp4:
0x5f: {  	s0 =	sadd.s32 $0x8, s0;
	(pc) =	sbr.rel @p0 .LBB2_11-.Ltmp4, $2  }
0x60: {  	_ =	sdelay $0x2  }
0x61: {  	s19 =	sadd.s32 $0x80, s19;
	s20 =	sadd.s32 s20, s6  }
0x62: {  	[hbm4b:s20+s3] =	stream.linear.scatter [tilespmem:s16], [sflag:$0x6], $0x40, $0x38;
	[tilespmem:$0x1A400] =	vst v63  }
0x63: {  	s21 =	sadd.s32 $0x1, s21  }
0x64: {  	p0 =	sne.s32 s21, $0x27  }
.Ltmp5:
0x65: {  	_ = 	snop;
	(pc) =	sbr.rel @p0 .LBB2_2-.Ltmp5, $4  }
0x66: {  	_ =	swait.ge [sflag:s17], $0x2000  }
0x67: {  	[sflag:s17] =	ssyncset.done $0x0  }
0x68: {  	s0 =	sadd.s32 $0x480, s25;
	[sflag:s17] =	ssyncadd.s32 $0xFFFFE000  }
0x69: {  	[tilespmem:s26], [sflag:$0x5] =	stream.indirect.gather [hbm4b:s5+s18], $0x80, s0, s18, $0xb8;
	[tilespmem:$0x1A400] =	vst v63  }
0x6a: {  	_ =	swait.ge [sflag:s28], $0x4000  }
0x6b: {  	s6 =	simm.s32 $0x6400;
	s0 =	simm.s32 $0x8;
	[sflag:s28] =	ssyncset.done $0x0  }
0x6c: {  	s19 =	sadd.s32 $0x0, s11;
	s16 =	simm.s32 $0x6480;
	[sflag:s28] =	ssyncadd.s32 $0xFFFFC000  }
.LBB2_14:
0x6d: {  	[hbm4b:s19+s3] =	stream.linear.scatter [tilespmem:s6], [sflag:$0x6], $0x40, $0x38;
	[tilespmem:$0x1A400] =	vst v63  }
0x6e: {  	s19 =	smov.u32 s0;
	s6 =	smov.u32 s16;
	p0 =	sne.s32 s0, $0x3F8  }
.Ltmp6:
0x6f: {  	s0 =	sadd.s32 $0x8, s0;
	(pc) =	sbr.rel @p0 .LBB2_14-.Ltmp6, $2  }
0x70: {  	_ =	sdelay $0x2  }
0x71: {  	s16 =	sadd.s32 $0x80, s16;
	s19 =	sadd.s32 s19, s11  }
0x72: {  	[hbm4b:s19+s3] =	stream.linear.scatter [tilespmem:s6], [sflag:$0x6], $0x40, $0x38;
	[tilespmem:$0x1A400] =	vst v63  }
0x73: {  	_ =	swait.ge [sflag:s17], $0x2000  }
0x74: {  	[sflag:s17] =	ssyncset.done $0x0  }
0x75: {  	[sflag:s17] =	ssyncadd.s32 $0xFFFFE000  }
0x76: {  	_ =	swait.ge [sflag:s29], $0x4000  }
0x77: {  	s6 =	simm.s32 $0xA400;
	s0 =	simm.s32 $0x8;
	[sflag:s29] =	ssyncset.done $0x0  }
0x78: {  	s19 =	sadd.s32 $0x0, s12;
	s16 =	simm.s32 $0xA480;
	[sflag:s29] =	ssyncadd.s32 $0xFFFFC000  }
.LBB2_16:
0x79: {  	[hbm4b:s19+s3] =	stream.linear.scatter [tilespmem:s6], [sflag:$0x6], $0x40, $0x38;
	[tilespmem:$0x1A400] =	vst v63  }
0x7a: {  	s19 =	smov.u32 s0;
	s6 =	smov.u32 s16;
	p0 =	sne.s32 s0, $0x3F8  }
.Ltmp7:
0x7b: {  	s0 =	sadd.s32 $0x8, s0;
	(pc) =	sbr.rel @p0 .LBB2_16-.Ltmp7, $2  }
0x7c: {  	_ =	sdelay $0x2  }
0x7d: {  	s16 =	sadd.s32 $0x80, s16;
	s19 =	sadd.s32 s19, s12  }
0x7e: {  	[hbm4b:s19+s3] =	stream.linear.scatter [tilespmem:s6], [sflag:$0x6], $0x40, $0x38;
	[tilespmem:$0x1A400] =	vst v63  }
0x7f: {  	_ =	swait.ge [sflag:s17], $0x2000  }
0x80: {  	[sflag:s17] =	ssyncset.done $0x0  }
0x81: {  	[sflag:s17] =	ssyncadd.s32 $0xFFFFE000  }
0x82: {  	_ =	swait.ge [sflag:s30], $0x4000  }
0x83: {  	s6 =	simm.s32 $0xE400;
	s0 =	simm.s32 $0x8;
	[sflag:s30] =	ssyncset.done $0x0  }
0x84: {  	s19 =	sadd.s32 $0x0, s13;
	s16 =	simm.s32 $0xE480;
	[sflag:s30] =	ssyncadd.s32 $0xFFFFC000  }
.LBB2_18:
0x85: {  	[hbm4b:s19+s3] =	stream.linear.scatter [tilespmem:s6], [sflag:$0x6], $0x40, $0x38;
	[tilespmem:$0x1A400] =	vst v63  }
0x86: {  	s19 =	smov.u32 s0;
	s6 =	smov.u32 s16;
	p0 =	sne.s32 s0, $0x3F8  }
.Ltmp8:
0x87: {  	s0 =	sadd.s32 $0x8, s0;
	(pc) =	sbr.rel @p0 .LBB2_18-.Ltmp8, $2  }
0x88: {  	_ =	sdelay $0x2  }
0x89: {  	s16 =	sadd.s32 $0x80, s16;
	s19 =	sadd.s32 s19, s13  }
0x8a: {  	[hbm4b:s19+s3] =	stream.linear.scatter [tilespmem:s6], [sflag:$0x6], $0x40, $0x38;
	[tilespmem:$0x1A400] =	vst v63  }
0x8b: {  	_ =	swait.ge [sflag:s17], $0x2000  }
0x8c: {  	[sflag:s17] =	ssyncset.done $0x0  }
0x8d: {  	[sflag:s17] =	ssyncadd.s32 $0xFFFFE000  }
0x8e: {  	_ =	swait.ge [sflag:s31], $0x4000  }
0x8f: {  	s6 =	simm.s32 $0x12400;
	s0 =	simm.s32 $0x8;
	[sflag:s31] =	ssyncset.done $0x0  }
0x90: {  	s19 =	sadd.s32 $0x0, s14;
	s16 =	simm.s32 $0x12480;
	[sflag:s31] =	ssyncadd.s32 $0xFFFFC000  }
.LBB2_20:
0x91: {  	[hbm4b:s19+s3] =	stream.linear.scatter [tilespmem:s6], [sflag:$0x6], $0x40, $0x38;
	[tilespmem:$0x1A400] =	vst v63  }
0x92: {  	s19 =	smov.u32 s0;
	s6 =	smov.u32 s16;
	p0 =	sne.s32 s0, $0x3F8  }
.Ltmp9:
0x93: {  	s0 =	sadd.s32 $0x8, s0;
	(pc) =	sbr.rel @p0 .LBB2_20-.Ltmp9, $2  }
0x94: {  	_ =	sdelay $0x2  }
0x95: {  	s16 =	sadd.s32 $0x80, s16;
	s19 =	sadd.s32 s19, s14  }
0x96: {  	[hbm4b:s19+s3] =	stream.linear.scatter [tilespmem:s6], [sflag:$0x6], $0x40, $0x38;
	[tilespmem:$0x1A400] =	vst v63  }
0x97: {  	_ =	swait.ge [sflag:s17], $0x2000  }
0x98: {  	[sflag:s17] =	ssyncset.done $0x0  }
0x99: {  	[sflag:s17] =	ssyncadd.s32 $0xFFFFE000  }
0x9a: {  	_ =	swait.ge [sflag:s1], $0x4000  }
0x9b: {  	s6 =	simm.s32 $0x16400;
	s0 =	simm.s32 $0x8;
	[sflag:s1] =	ssyncset.done $0x0  }
0x9c: {  	s19 =	sadd.s32 $0x0, s15;
	s16 =	simm.s32 $0x16480;
	[sflag:s1] =	ssyncadd.s32 $0xFFFFC000  }
.LBB2_22:
0x9d: {  	[hbm4b:s19+s3] =	stream.linear.scatter [tilespmem:s6], [sflag:$0x6], $0x40, $0x38;
	[tilespmem:$0x1A400] =	vst v63  }
0x9e: {  	s19 =	smov.u32 s0;
	s6 =	smov.u32 s16;
	p0 =	sne.s32 s0, $0x3F8  }
.Ltmp10:
0x9f: {  	s0 =	sadd.s32 $0x8, s0;
	(pc) =	sbr.rel @p0 .LBB2_22-.Ltmp10, $2  }
0xa0: {  	_ =	sdelay $0x2  }
0xa1: {  	s16 =	sadd.s32 $0x80, s16;
	s19 =	sadd.s32 s19, s15  }
0xa2: {  	[hbm4b:s19+s3] =	stream.linear.scatter [tilespmem:s6], [sflag:$0x6], $0x40, $0x38;
	[tilespmem:$0x1A400] =	vst v63  }
0xa3: {  	_ =	swait.ge [sflag:s17], $0x2000  }
0xa4: {  	s25 =	rddreg [dreg:$0x5]  }
0xa5: {  	s0 =	rddreg [dreg:$0x4];
	s6 =	sadd.s32 $0x1, s25  }
0xa6: {  	p0 =	sne.s32 s6, s0  }
.Ltmp11:
0xa7: {  	_ = 	snop;
	(pc) =	sbr.rel @p0 .LBB2_1-.Ltmp11, $3  }
0xa8: {  	_ =	sdelay $0x1  }
0xa9: {  	[sflag:s17] =	ssyncset.done $0x0  }
0xaa: {  	[sflag:s17] =	ssyncadd.s32 $0xFFFFE000  }
0xab: {  	_ =	sfence.sel $0x180000  }
0xac: {  	[bflag:$0x0] =	sbarrier.arrive $0xFFFF  }
0xad: {  	_ =	strace $0x90000047  }
0xae: {  	s0 =	stileid.u32;
	[bflag:$0x2] =	sbarrier.arrive $0xFFFF  }
0xaf: {  	p0 =	sne.s32 s0, $0x0;
	s0 =	rddreg [dreg:$0x2]  }
0xb0: {  	s0 =	sadd.s32 @!p0 $0x100000, s0  }
0xb1: {  	[sflag:s0] =	ssyncadd.tile.s32 @!p0 $0x1;
	_ =	shalt  }
.Lfunc_end2:
_tile_overlayer_lowered:
.L_overlay_start_2:
0xb2: {  	(tag) =	ssettag $0x2  }
0xb3: {  	s0 =	rddreg [dreg:$0x0];
	s2 =	stileid.u32  }
0xb4: {  	s1 =	rddreg [dreg:$0x1];
	p0 =	sne.s32 s2, $0x0  }
0xb5: {  	s3 =	rddreg [dreg:$0x2];
	[bflag:$0x3] =	sbarrier.arrive $0xFFFF;
	s2 =	simm.s32 @!p0 $0x1C06  }
0xb6: {  	[timem:s3], [sflag:s2] =	dma.local @!p0 [hbm:s0], s1  }
0xb7: {  	s0 =	simm.s32 @!p0 $0x6  }
0xb8: {  	_ =	swait.ge @!p0 [sflag:s0], s1  }
0xb9: {  	s1 =	ssub.s32 @!p0 $0x0, s1;
	[sflag:s0] =	ssyncset.done @!p0 $0x0  }
0xba: {  	[sflag:s0] =	ssyncadd.s32 @!p0 s1  }
0xbb: {  	[bflag:$0x3] =	sbarrier.arrive $0xFFFF  }
0xbc: {  	_ =	shalt  }

// kernel: sparse-core-data-format-call.cloned.1.call-start
scs
called_computation_lowered:
.L_overlay_start_0:
0x0: {  	s2 =	sld [smem:$0x3FD9]  }
0x1: {  	s3 =	sld [smem:$0x3FFE];
	_ =	sdelay $0x1  }
0x2: {  	s1 =	srdreg.scid  }
0x3: {  	s0 =	sand.u32 $0x1, s1  }
0x4: {  	s18 =	sshll.u32 s0, $0xA;
	s2 =	sadd.s32 s3, s2  }
0x5: {  	s2 =	sadd.s32 s2, s18  }
0x6: {  	[smem:$0x3FC6] =	sst s2  }
0x7: {  	_ = 	snop  }
0x8: {  	s2 =	sld [smem:$0x3FD0];
	(tm) =	ssettm $0x1  }
0x9: {  	s19 =	sld [smem:$0x3FFB];
	_ =	sdelay $0x3  }
0xa: {  	_ =	strace s19  }
0xb: {  	s3 =	sld [smem:$0x3FFC];
	_ =	sdelay $0x3  }
0xc: {  	_ =	strace s3  }
0xd: {  	s3 =	sld [smem:$0x3FFD];
	_ =	sdelay $0x3  }
0xe: {  	_ =	strace s3  }
0xf: {  	_ =	strace $0x8FFFFFFF  }
0x10: {  	s20 =	sld [smem:$0x3FDB];
	_ =	sdelay $0x1  }
0x11: {  	s4 =	simm.s32 $_scs_section_size  }
0x12: {  	s5 =	simm.s32 $_size__tile_overlayer_lowered;
	s6 =	simm.s32 $_tile_overlayer_lowered  }
0x13: {  	s23 =	simm.s32 $0x1BFF;
	s22 =	sshll.u32 s6, $0x1;
	s3 =	sadd.s32 s4, s20  }
0x14: {  	s7 =	simm.s32 $0x0;
	s21 =	sshll.u32 s5, $0x1;
	s5 =	sadd.s32 s22, s3  }
0x15: {  	[timem:s7], [sflag:s23] =	dma.local [hbm:s5], s21  }
0x16: {  	_ =	swait.ge [sflag:s23], s21  }
0x17: {  	s4 =	ssub.s32 $0x0, s21;
	[sflag:s23] =	ssyncset.done $0x0  }
0x18: {  	[sflag:s23] =	ssyncadd.s32 s4;
	_ =	sdelay $0x1  }
0x19: {  	s24 =	simm.s32 $0x1B8B  }
0x1a: {  	_ =	swait.ge [sflag:s24], $0x1  }
0x1b: {  	[sflag:s24] =	ssyncset.done $0x0  }
0x1c: {  	s26 =	simm.s32 $0x1B8E;
	s25 =	sld [smem:$0x3FFE];
	[sflag:s24] =	ssyncadd.s32 $0xFFFFFFFF  }
0x1d: {  	s27 =	simm.s32 $execute0_lowered;
	[smem:$0x3FD2] =	sst s26  }
0x1e: {  	s5 =	sshll.u32 s27, $0x1;
	_ =	strace $0x80000049;
	[dreg:$0x1] =	wrdreg $0xFFFFFFFF  }
0x1f: {  	s28 =	simm.s32 $_size_execute0_lowered;
	s3 =	sadd.s32 s3, s5;
	[dreg:$0x0] =	wrdreg $0x0  }
0x20: {  	s5 =	sshll.u32 s28, $0x1;
	[dreg:$0x2] =	wrdreg s3  }
0x21: {  	[dreg:$0x3] =	wrdreg s5  }
0x22: {  	[dreg:$0x4] =	wrdreg $0xC0  }
0x23: {  	_ =	task [dreg:s7], $0x5FFFF  }
0x24: {  	[dreg:$0x1] =	wrdreg $0xFFFFFFFF  }
0x25: {  	[dreg:$0x0] =	wrdreg $0x60  }
0x26: {  	[dreg:$0x2] =	wrdreg s25  }
0x27: {  	[dreg:$0x3] =	wrdreg s2  }
0x28: {  	[dreg:$0x4] =	wrdreg $0x9  }
0x29: {  	_ =	task.clear_ibuf [dreg:s7], $0x5FFFF;
	_ =	strace $0x90000049  }
0x2a: {  	s29 =	simm.s32 $0x9;
	_ =	strace $0x8000004B  }
0x2b: {  	_ =	swait.ge [sflag:s29], $0x1  }
0x2c: {  	[sflag:s29] =	ssyncadd.s32 $0xFFFFFFFF  }
0x2d: {  	_ =	strace $0x9000004B  }
0x2e: {  	_ =	sfence  }
0x2f: {  	s30 =	sld [smem:$0x0];
	_ =	sdelay $0x2  }
0x30: {  	s31 =	sshll.u32 s1, $0xD;
	s1 =	sshrl.u32 s1, $0x2  }
0x31: {  	s3 =	sand.u32 $0x4000, s31;
	s1 =	sadd.s32 s1, s30  }
0x32: {  	s0 =	sor.u32 s3, s0;
	s1 =	sshll.u32 s1, $0x11  }
0x33: {  	s0 =	sor.u32 s1, s0  }
0x34: {  	s0 =	sadd.s32 $0x8F2B, s0  }
0x35: {  	[sflag:s0] =	ssyncadd.remote.s32 $0x1  }
0x36: {  	_ =	sfence.sel $0xFFFF  }
0x37: {  	[dreg:$0x0] =	wrdreg $0xFFFFFFFF;
	(pc) =	sbr.abs _section_cstart, $3  }
0x38: {  	[dreg:$0x1] =	wrdreg $0xFFFFFFFF  }
0x39: {  	_ =	task.clear_ibuf [dreg:s7], $0x2FFFF;
	_ =	strace $0x9FFFFFFF  }
0x3a: {  	(tm) =	ssettm $0x7FFFFFFF  }
0x3b: {  	_ =	shalt  }
tec
execute0_lowered:
.L_overlay_start_1:
0x0: {  	(tag) =	ssettag $0x1  }
0x1: {  	s0 =	srdreg.scid  }
0x2: {  	s1 =	sshll.u32 s0, $0x4  }
0x3: {  	s0 =	stileid.u32;
	s1 =	sand.u32 $0x10, s1  }
0x4: {  	s1 =	sor.u32 s0, s1  }
0x5: {  	s6 =	rddreg [dreg:$0x0];
	s4 =	simm.s32 $0x1;
	s2 =	sshll.u32 s1, $0x7  }
0x6: {  	s7 =	simm.s32 $0x2;
	s12 =	simm.s32 $0x0;
	s1 =	ssub.s32 $0x1000, s2  }
0x7: {  	s8 =	simm.s32 $0x8000;
	s13 =	simm.s32 $0x0;
	s3 =	sand.u32 $0xF80, s1  }
0x8: {  	s9 =	simm.s32 $0x0;
	s5 =	sshrl.u32 s1, $0xC;
	p0 =	sne.s32 s3, $0x0  }
.Ltmp0:
0x9: {  	s1 =	rddreg [dreg:$0x2];
	s4 =	simm.s32 @!p0 $0x0;
	(pc) =	sbr.rel .LBB1_1-.Ltmp0, $4  }
0xa: {  	s11 =	simm.s32 $0x0;
	s3 =	rddreg [dreg:$0x1];
	s5 =	sadd.s32 s4, s5  }
0xb: {  	_ =	strace $0x8000004A;
	s4 =	simm.s32 $0x1;
	s5 =	smul.u32 $0xC8, s5  }
0xc: {  	s6 =	sadd.s32 $0xA00, s6;
	s10 =	smov.u32 s2;
	[sflag:s4] =	ssyncpa.u1 $0x0  }
0xd: {  	p0 =	por $0x0, $0x0;
	[sflag:s7] =	ssyncpa.u1 $0x0;
	s7 =	sor.u32 $0x1, s5  }
.LBB1_4:
0xe: {  	s16 =	sshll.u32 s13, $0x3;
	s17 =	sand.u32 $0x78, s13  }
0xf: {  	s30 =	sand.u32 $0x7E00, s13;
	s12 =	sshll.u32 s12, $0xF;
	s16 =	sand.u32 $0xC00, s16  }
0x10: {  	[tilespmem:s15+$0x810 ss:$0x81] =	vst.msk $0xffff, v2;
	s31 =	sand.u32 $0x7, s13;
	s16 =	sor.u32 s17, s16;
	s17 =	sadd.s32 s3, s30  }
0x11: {  	[tilespmem:s15+$0x1020 ss:$0x81] =	vst.msk $0xffff, v0;
	s13 =	sshll.u32 s31, $0x12;
	s12 =	sadd.s32 s12, s17;
	s16 =	sshrl.u32 s16, $0x3  }
0x12: {  	[tilespmem:s15+$0x0 ss:$0x81] =	vst.msk $0xffff, v1;
	s13 =	sor.u32 $0x400, s13;
	s12 =	sadd.s32 s16, s12  }
0x13: {  	[hbm4b:s12+s13] =	stream.strided.scatter [tilespmem:s14], [sflag:$0x2], $0x2000, s8, s13, $0x20;
	[tilespmem:$0x8080] =	vst v63  }
.LBB1_5:
0x14: {  	s14 =	sadd.s32 $0x1, s9  }
0x15: {  	s12 =	sadd.s32 $0x1000, s10;
	s16 =	smov.u32 s10;
	p2 =	sgt.s32 s14, $0xC7  }
0x16: {  	s16 =	smov.u32 @p2 s12  }
0x17: {  	s14 =	simm.s32 @p2 $0x0;
	p2 =	sgt.s32 s16, $0xFFF  }
0x18: {  	s16 =	smov.u32 @p2 s2;
	p2 =	sne.s32 s11, s7  }
.Ltmp1:
0x19: {  	p1 =	slt.u32 s11, $0x2;
	(pc) =	sbr.rel @!p2 .LBB1_6-.Ltmp1, $4  }
0x1a: {  	s15 =	simm.s32 @!p1 $0x2  }
0x1b: {  	s13 =	smov.u32 s10;
	p0 =	por !p0, !p0;
	_ =	swait.ge @!p1 [sflag:s15], $0x2000  }
0x1c: {  	s12 =	smov.u32 s9;
	[sflag:s15] =	ssyncset.done @!p1 $0x0;
	s9 =	smov.u32 s14  }
0x1d: {  	s11 =	sadd.s32 $0x1, s11;
	[sflag:s15] =	ssyncadd.s32 @!p1 $0xFFFFE000;
	s10 =	smov.u32 s16  }
.LBB1_1:
0x1e: {  	p1 =	sge.u32 s11, s5  }
0x1f: {  	s14 =	sand.u32 @!p1 $0x1FFFFFF, s9  }
0x20: {  	s15 =	smulhi.u32 @!p1 $0x147AE15, s14;
	_ =	sdelay $0x1  }
0x21: {  	s15 =	smul.u32 @!p1 $0xC8, s15  }
0x22: {  	s16 =	sxor.u32 @!p1 $0xFFFFFFFF, s11;
	s17 =	smul.u32 @!p1 $0xC80, s10  }
0x23: {  	s31 =	sadd.s32 $0xFFFFFFFF, s11;
	s16 =	sshll.u32 @!p1 s16, $0xD;
	s14 =	ssub.s32 @!p1 s14, s15  }
0x24: {  	s15 =	sand.u32 @!p1 $0x2000, s16;
	s16 =	sadd.s32 @!p1 s6, s17;
	s14 =	sshll.u32 @!p1 s14, $0x4  }
0x25: {  	s17 =	simm.s32 @!p1 $0x6400;
	s14 =	sadd.s32 @!p1 s14, s16;
	s16 =	simm.s32 @!p1 $0x40  }
0x26: {  	[tilespmem:s15], [sflag:$0x1] =	stream.strided.gather @!p1 [hbm4b:s14+s16], $0x2000, s17, s16, $0x38;
	[tilespmem:$0x8080] =	vst v63  }
0x27: {  	p1 =	sge.u32 s31, s5  }
.Ltmp2:
0x28: {  	_ = 	snop;
	(pc) =	sbr.rel @p1 .LBB1_5-.Ltmp2, $1  }
0x29: {  	_ =	sdelay $0x3  }
0x2a: {  	s14 =	simm.s32 $0x1  }
0x2b: {  	_ =	swait.ge [sflag:s4], $0x2000;
	s14 =	simm.s32 @!p0 $0x0  }
0x2c: {  	[sflag:s4] =	ssyncset.done $0x0;
	s15 =	sshll.u32 s14, $0xD  }
0x2d: {  	[sflag:s4] =	ssyncadd.s32 $0xFFFFE000;
	s18 =	sor.u32 $0x20, s15  }
0x2e: {  	s14 =	smul.u32 $0x8100, s14;
	v3 =	vld [tilespmem:s18+$0x10]  }
0x2f: {  	s30 =	sand.u32 $0x1, s11;
	v2 =	vld [tilespmem:s18+$0xFFFFFFF0]  }
0x30: {  	s15 =	smul.u32 $0x8100, s30;
	s14 =	sshrl.u32 s14, $0x2;
	v0 =	vld [tilespmem:s18+$0x0]  }
0x31: {  	v1 =	vld [tilespmem:s18+$0xFFFFFFE0];
	s16 =	sor.u32 $0x4000, s14  }
0x32: {  	s31 =	sshrl.u32 s15, $0x2;
	s15 =	sadd.s32 $0x0, s16  }
0x33: {  	s17 =	simm.s32 $0x4;
	s18 =	sadd.s32 $0x40, s18;
	s14 =	sor.u32 $0x4000, s31;
	[tilespmem:s15+$0x1830 ss:$0x81] =	vst.msk $0xffff, v3  }
.LBB1_3:
0x34: {  	v3 =	vld [tilespmem:s18+$0x10];
	p1 =	sne.s32 s17, $0x1FC;
	[tilespmem:s15+$0x810 ss:$0x81] =	vst.msk $0xffff, v2;
	s19 =	smov.u32 s17;
	s17 =	sadd.s32 $0x4, s17  }
.Ltmp3:
0x35: {  	v2 =	vld [tilespmem:s18+$0xFFFFFFF0];
	[tilespmem:s15+$0x1020 ss:$0x81] =	vst.msk $0xffff, v0;
	(pc) =	sbr.rel @p1 .LBB1_3-.Ltmp3, $4  }
0x36: {  	v0 =	vld [tilespmem:s18+$0x0];
	[tilespmem:s15+$0x0 ss:$0x81] =	vst.msk $0xffff, v1  }
0x37: {  	s15 =	sshra.s32 s19, $0x2;
	v1 =	vld [tilespmem:s18+$0xFFFFFFE0]  }
0x38: {  	s15 =	sadd.s32 s15, s16  }
0x39: {  	s18 =	sadd.s32 $0x40, s18;
	[tilespmem:s15+$0x1830 ss:$0x81] =	vst.msk $0xffff, v3  }
.Ltmp4:
0x3a: {  	_ = 	snop;
	(pc) =	sbr.rel .LBB1_4-.Ltmp4, $1  }
0x3b: {  	_ =	sdelay $0x3  }
.LBB1_6:
0x3c: {  	_ =	sfence.sel $0x180000  }
0x3d: {  	s2 =	simm.s32 $0x1;
	[bflag:$0x0] =	sbarrier.arrive $0xFFFF  }
0x3e: {  	s31 =	simm.s32 $0x2;
	[sflag:s2] =	ssyncpa.u1 $0x1  }
0x3f: {  	[sflag:s31] =	ssyncpa.u1 $0x1  }
0x40: {  	p0 =	sne.s32 s0, $0x0;
	_ =	strace $0x9000004A  }
0x41: {  	s0 =	sadd.s32 @!p0 $0x100000, s1;
	[bflag:$0x2] =	sbarrier.arrive $0xFFFF  }
0x42: {  	[sflag:s0] =	ssyncadd.tile.s32 @!p0 $0x1;
	_ =	shalt  }
.Lfunc_end1:
_tile_overlayer_lowered:
.L_overlay_start_2:
0x43: {  	(tag) =	ssettag $0x2  }
0x44: {  	s0 =	rddreg [dreg:$0x0];
	s2 =	stileid.u32  }
0x45: {  	s1 =	rddreg [dreg:$0x1];
	p0 =	sne.s32 s2, $0x0  }
0x46: {  	s3 =	rddreg [dreg:$0x2];
	[bflag:$0x3] =	sbarrier.arrive $0xFFFF;
	s2 =	simm.s32 @!p0 $0x1C01  }
0x47: {  	[timem:s3], [sflag:s2] =	dma.local @!p0 [hbm:s0], s1  }
0x48: {  	s0 =	simm.s32 @!p0 $0x1  }
0x49: {  	_ =	swait.ge @!p0 [sflag:s0], s1  }
0x4a: {  	s1 =	ssub.s32 @!p0 $0x0, s1;
	[sflag:s0] =	ssyncset.done @!p0 $0x0  }
0x4b: {  	[sflag:s0] =	ssyncadd.s32 @!p0 s1  }
0x4c: {  	[bflag:$0x3] =	sbarrier.arrive $0xFFFF  }
0x4d: {  	_ =	shalt  }

</sc_bundles>
